<compile_context>
chip_gen: v7x
topology: tpu7x:2x2x1
jax: 0.10.2.dev20260603
libtpu: 0.0.44.dev20260713+nightly
codegen_flags: <defaults>
</compile_context>

<pallas_src>
import functools

import jax
import jax.numpy as jnp
from jax import lax
from jax.experimental import pallas as pl
from jax.experimental.pallas import tpu as pltpu
from jax.experimental.pallas import tpu_sc as plsc

N_NODES = 10000
N_EDGES = 320000
D = 128

NC = 2
NS = 16
NW = NC * NS
N_PAD = 10240
ROWS_PER_TILE = N_PAD // NS
CHUNK = 128
NCHUNK = 79
EPW = NCHUNK * CHUNK
E_PAD = NW * EPW
DST_BITS = 14


def _sc_aggregate(x, packed3, z2, z1):
    mesh = plsc.VectorSubcoreMesh(core_axis_name="c", subcore_axis_name="s")

    @functools.partial(
        pl.kernel,
        out_type=[
            jax.ShapeDtypeStruct((NC, N_PAD, D), jnp.float32),
            jax.ShapeDtypeStruct((NC, N_PAD), jnp.float32),
        ],
        mesh=mesh,
        compiler_params=pltpu.CompilerParams(use_tc_tiling_on_sc=True),
        scratch_types=[
            pltpu.VMEM((NCHUNK, CHUNK), jnp.int32),
            pltpu.VMEM((CHUNK,), jnp.int32),
            pltpu.VMEM((CHUNK,), jnp.int32),
            pltpu.VMEM((CHUNK,), jnp.int32),
            pltpu.VMEM((CHUNK,), jnp.int32),
            pltpu.VMEM((CHUNK, D), jnp.float32),
            pltpu.VMEM((CHUNK, D), jnp.float32),
            pltpu.VMEM((CHUNK,), jnp.float32),
            pltpu.VMEM_SHARED((N_PAD, D), jnp.float32),
            pltpu.VMEM_SHARED((N_PAD,), jnp.float32),
            pltpu.SemaphoreType.DMA,
            pltpu.SemaphoreType.DMA,
        ],
    )
    def agg(x_hbm, pk_hbm, z2_hbm, z1_hbm, acc_out, deg_out,
            pk_t, src_a, src_b, dst_a, dst_b, rows_a, rows_b, ones_v,
            acc_s, deg_s, sem_a, sem_b):
        c = lax.axis_index("c")
        s = lax.axis_index("s")
        wid = s * NC + c
        rbase = s * ROWS_PER_TILE

        pltpu.sync_copy(pk_hbm.at[wid], pk_t)

        pltpu.sync_copy(z2_hbm, rows_a)
        for j in range(ROWS_PER_TILE // CHUNK):
            pltpu.sync_copy(rows_a, acc_s.at[pl.ds(rbase + j * CHUNK, CHUNK)])
        pltpu.sync_copy(z1_hbm.at[pl.ds(rbase, ROWS_PER_TILE)],
                        deg_s.at[pl.ds(rbase, ROWS_PER_TILE)])
        for j in range(CHUNK // 16):
            ones_v[pl.ds(j * 16, 16)] = jnp.ones((16,), jnp.float32)
        plsc.subcore_barrier()

        mask = jnp.int32((1 << DST_BITS) - 1)

        def unpack(k, src_v, dst_v):
            for j in range(CHUNK // 16):
                p = pk_t[k, pl.ds(j * 16, 16)]
                src_v[pl.ds(j * 16, 16)] = lax.shift_right_logical(
                    p, DST_BITS)
                dst_v[pl.ds(j * 16, 16)] = lax.bitwise_and(p, mask)

        def gather(src_v, buf, sem):
            pltpu.async_copy(x_hbm.at[src_v], buf, sem)

        def wait(src_v, buf, sem):
            pltpu.make_async_copy(x_hbm.at[src_v], buf, sem).wait()

        def flush(dst_v, buf):
            pltpu.sync_copy(buf, acc_s.at[dst_v], add=True)
            pltpu.sync_copy(ones_v, deg_s.at[dst_v], add=True)

        unpack(0, src_a, dst_a)
        gather(src_a, rows_a, sem_a)

        def body(k2, carry):
            k = 2 * k2
            unpack(k + 1, src_b, dst_b)
            gather(src_b, rows_b, sem_b)
            wait(src_a, rows_a, sem_a)
            flush(dst_a, rows_a)
            unpack(k + 2, src_a, dst_a)
            gather(src_a, rows_a, sem_a)
            wait(src_b, rows_b, sem_b)
            flush(dst_b, rows_b)
            return carry

        lax.fori_loop(0, (NCHUNK - 1) // 2, body, 0)
        wait(src_a, rows_a, sem_a)
        flush(dst_a, rows_a)
        plsc.subcore_barrier()

        pltpu.sync_copy(acc_s.at[pl.ds(rbase, ROWS_PER_TILE)],
                        acc_out.at[c, pl.ds(rbase, ROWS_PER_TILE)])
        pltpu.sync_copy(deg_s.at[pl.ds(rbase, ROWS_PER_TILE)],
                        deg_out.at[c, pl.ds(rbase, ROWS_PER_TILE)])

    return agg(x, packed3, z2, z1)


def _tc_epilogue(x, acc, deg3, W_l, b_l, W_r, b_r):
    R = 2000

    def body(x_ref, a0_ref, a1_ref, d0_ref, d1_ref, wl_ref, bl_ref, wr_ref,
             br_ref, out_ref):
        a = a0_ref[0] + a1_ref[0]
        d = d0_ref[0] + d1_ref[0]
        mean = a / jnp.maximum(d, 1.0)
        h = (jnp.dot(mean, wl_ref[...], preferred_element_type=jnp.float32)
             + jnp.dot(x_ref[...], wr_ref[...], preferred_element_type=jnp.float32)
             + bl_ref[...] + br_ref[...])
        norm = jnp.sqrt(jnp.sum(h * h, axis=1, keepdims=True))
        out_ref[...] = jnp.maximum(h / jnp.maximum(norm, 1e-12), 0.0)

    return pl.pallas_call(
        body,
        grid=(N_NODES // R,),
        in_specs=[
            pl.BlockSpec((R, D), lambda i: (i, 0)),
            pl.BlockSpec((1, R, D), lambda i: (0, i, 0)),
            pl.BlockSpec((1, R, D), lambda i: (1, i, 0)),
            pl.BlockSpec((1, R, 1), lambda i: (0, i, 0)),
            pl.BlockSpec((1, R, 1), lambda i: (1, i, 0)),
            pl.BlockSpec((D, D), lambda i: (0, 0)),
            pl.BlockSpec((1, D), lambda i: (0, 0)),
            pl.BlockSpec((D, D), lambda i: (0, 0)),
            pl.BlockSpec((1, D), lambda i: (0, 0)),
        ],
        out_specs=pl.BlockSpec((R, D), lambda i: (i, 0)),
        out_shape=jax.ShapeDtypeStruct((N_NODES, D), jnp.float32),
    )(x, acc, acc, deg3, deg3, W_l, b_l.reshape(1, D), W_r, b_r.reshape(1, D))


def kernel(x, edge_index, W_l, b_l, W_r, b_r):
    src = edge_index[0].astype(jnp.int32)
    dst = edge_index[1].astype(jnp.int32)
    npad = E_PAD - N_EDGES
    pad_src = jnp.arange(npad, dtype=jnp.int32) % N_NODES
    pad_dst = jnp.arange(npad, dtype=jnp.int32) % (N_PAD - N_NODES) + N_NODES
    src_p = jnp.concatenate([src, pad_src])
    dst_p = jnp.concatenate([dst, pad_dst])
    packed3 = ((src_p << DST_BITS) | dst_p).reshape(NW, NCHUNK, CHUNK)
    z2 = jnp.zeros((CHUNK, D), jnp.float32)
    z1 = jnp.zeros((N_PAD,), jnp.float32)
    acc, deg = _sc_aggregate(x, packed3, z2, z1)
    return _tc_epilogue(x, acc, deg[..., None], W_l, b_l, W_r, b_r)

# --- scband reference (transcript-rebuilt; emitter-appended) ---
"""Pipeline reference for scband-graph-sage-23390391894413 (READ-ONLY COPY).

The authoritative reference and input builder live on the scoring server;
editing this copy changes nothing except your own understanding.
"""

import jax, jax.numpy as jnp
import numpy as np

N_NODES = 10000
N_EDGES = 320000
D_IN = 128
D_OUT = 128

def setup_inputs(seed: int = 0) -> dict:
    key = jax.random.key(seed)
    k_x, k_e, k_wl, k_bl, k_wr, k_br = jax.random.split(key, 6)
    x = jax.random.normal(k_x, (N_NODES, D_IN), dtype=jnp.float32)
    edge_index = jax.random.randint(k_e, (2, N_EDGES), 0, N_NODES, dtype=jnp.int64)
    s = 1.0 / np.sqrt(D_IN)
    W_l = jax.random.uniform(k_wl, (D_IN, D_OUT), dtype=jnp.float32, minval=-s, maxval=s)
    b_l = jax.random.uniform(k_bl, (D_OUT,), dtype=jnp.float32, minval=-s, maxval=s)
    W_r = jax.random.uniform(k_wr, (D_IN, D_OUT), dtype=jnp.float32, minval=-s, maxval=s)
    b_r = jax.random.uniform(k_br, (D_OUT,), dtype=jnp.float32, minval=-s, maxval=s)
    return {"x": x, "edge_index": edge_index, "W_l": W_l, "b_l": b_l, "W_r": W_r, "b_r": b_r}

def reference(x, edge_index, W_l, b_l, W_r, b_r):
    # SAGEConv(mean aggregation, normalize=True) followed by ReLU
    src = edge_index[0]
    dst = edge_index[1]
    msgs = jnp.take(x, src, axis=0)                                   # gather [E, D_IN]
    agg_sum = jax.ops.segment_sum(msgs, dst, num_segments=N_NODES)    # scatter-add
    deg = jax.ops.segment_sum(jnp.ones((msgs.shape[0],), dtype=x.dtype), dst, num_segments=N_NODES)
    agg_mean = agg_sum / jnp.maximum(deg, 1.0)[:, None]
    out = agg_mean @ W_l + b_l + x @ W_r + b_r
    # F.normalize(out, p=2, dim=-1)
    norm = jnp.sqrt(jnp.sum(out * out, axis=-1, keepdims=True))
    out = out / jnp.maximum(norm, 1e-12)
    out = jax.nn.relu(out)
    return out

if __name__ == "__main__":
    import jax
    _d = setup_inputs()
    print(jax.jit(kernel)(*tuple(_d.values())))

</pallas_src>

<mosaic_0001>
#map = affine_map<(d0, d1) -> (0, 0)>
#map1 = affine_map<(d0, d1) -> (0, 0, 0)>
#map2 = affine_map<(d0, d1) -> (0)>
module attributes {stable_mosaic.version = 14 : i64} {
  func.func @agg(%arg0: i32, %arg1: i32, %arg2: memref<10000x128xf32, #tpu.memory_space<hbm>>, %arg3: memref<32x79x128xi32, #tpu.memory_space<hbm>>, %arg4: memref<128x128xf32, #tpu.memory_space<hbm>>, %arg5: memref<10240xf32, #tpu.memory_space<hbm>>, %arg6: memref<2x10240x128xf32, #tpu.memory_space<hbm>>, %arg7: memref<2x10240xf32, #tpu.memory_space<hbm>>, %arg8: memref<79x128xi32, #tpu.memory_space<vmem>>, %arg9: memref<128xi32, #tpu.memory_space<vmem>>, %arg10: memref<128xi32, #tpu.memory_space<vmem>>, %arg11: memref<128xi32, #tpu.memory_space<vmem>>, %arg12: memref<128xi32, #tpu.memory_space<vmem>>, %arg13: memref<128x128xf32, #tpu.memory_space<vmem>>, %arg14: memref<128x128xf32, #tpu.memory_space<vmem>>, %arg15: memref<128xf32, #tpu.memory_space<vmem>>, %arg16: memref<10240x128xf32, #tpu.memory_space<vmem_shared>>, %arg17: memref<10240xf32, #tpu.memory_space<vmem_shared>>, %arg18: memref<!tpu.dma_semaphore, #tpu.memory_space<semaphore_mem>>, %arg19: memref<!tpu.dma_semaphore, #tpu.memory_space<semaphore_mem>>) attributes {dimension_semantics = [#tpu.dimension_semantics<core_parallel>, #tpu.dimension_semantics<subcore_parallel>], iteration_bounds = array<i64: 2, 16>, scalar_prefetch = 0 : i64, scratch_operands = 12 : i64, tpu.core_type = #tpu.core_type<sc_vector_subcore>, window_params = [{transform_indices = #map}, {transform_indices = #map1}, {transform_indices = #map}, {transform_indices = #map2}, {transform_indices = #map1}, {transform_indices = #map}]} {
    %mul3A = arith.constant 2 : i32
    %mul3A_0 = arith.muli %arg1, %mul3A : i32
    %add3A = arith.addi %mul3A_0, %arg0 : i32
    %mul3A_1 = arith.constant 640 : i32
    %mul3A_2 = arith.muli %arg1, %mul3A_1 : i32
    "tpu.region"() ({
      %run_scoped3A = tpu.sem_alloc : memref<!tpu.dma_semaphore, #tpu.memory_space<semaphore_mem>>
      %dma_start3A_219 = arith.constant 0 : i32
      %dma_start3A_220 = arith.constant 0 : i32
      %dma_start3A_221 = tpu.memref_slice %arg3[%add3A, %dma_start3A_219, %dma_start3A_220] : memref<32x79x128xi32, #tpu.memory_space<hbm>> -> memref<1x79x128xi32, #tpu.memory_space<hbm>>
      %dma_start3A_222 = tpu.memref_squeeze %dma_start3A_221 : memref<1x79x128xi32, #tpu.memory_space<hbm>> -> memref<79x128xi32, #tpu.memory_space<hbm>>
      %dma_start3A_223 = arith.constant 0 : i32
      %dma_start3A_224 = arith.constant 0 : i32
      %dma_start3A_225 = tpu.memref_slice %arg3[%add3A, %dma_start3A_223, %dma_start3A_224] : memref<32x79x128xi32, #tpu.memory_space<hbm>> -> memref<1x79x128xi32, #tpu.memory_space<hbm>>
      %dma_start3A_226 = tpu.memref_squeeze %dma_start3A_225 : memref<1x79x128xi32, #tpu.memory_space<hbm>> -> memref<79x128xi32, #tpu.memory_space<hbm>>
      tpu.enqueue_dma source(%dma_start3A_226 : memref<79x128xi32, #tpu.memory_space<hbm>>) target(%arg8 : memref<79x128xi32, #tpu.memory_space<vmem>>) target_semaphore(%run_scoped3A : memref<!tpu.dma_semaphore, #tpu.memory_space<semaphore_mem>>)
      %dma_wait3A_227 = arith.constant 0 : i32
      %dma_wait3A_228 = arith.constant 0 : i32
      %dma_wait3A_229 = tpu.memref_slice %arg3[%add3A, %dma_wait3A_227, %dma_wait3A_228] : memref<32x79x128xi32, #tpu.memory_space<hbm>> -> memref<1x79x128xi32, #tpu.memory_space<hbm>>
      %dma_wait3A_230 = tpu.memref_squeeze %dma_wait3A_229 : memref<1x79x128xi32, #tpu.memory_space<hbm>> -> memref<79x128xi32, #tpu.memory_space<hbm>>
      %dma_wait3A_231 = arith.constant 0 : i32
      %dma_wait3A_232 = arith.constant 0 : i32
      %dma_wait3A_233 = tpu.memref_slice %arg3[%add3A, %dma_wait3A_231, %dma_wait3A_232] : memref<32x79x128xi32, #tpu.memory_space<hbm>> -> memref<1x79x128xi32, #tpu.memory_space<hbm>>
      %dma_wait3A_234 = tpu.memref_squeeze %dma_wait3A_233 : memref<1x79x128xi32, #tpu.memory_space<hbm>> -> memref<79x128xi32, #tpu.memory_space<hbm>>
      tpu.wait_dma2 semaphore(%run_scoped3A : memref<!tpu.dma_semaphore, #tpu.memory_space<semaphore_mem>>) src(%dma_wait3A_234 : memref<79x128xi32, #tpu.memory_space<hbm>>) dst(%arg8 : memref<79x128xi32, #tpu.memory_space<vmem>>)
      tpu.yield
    }) : () -> ()
    "tpu.region"() ({
      %run_scoped3A = tpu.sem_alloc : memref<!tpu.dma_semaphore, #tpu.memory_space<semaphore_mem>>
      tpu.enqueue_dma source(%arg4 : memref<128x128xf32, #tpu.memory_space<hbm>>) target(%arg13 : memref<128x128xf32, #tpu.memory_space<vmem>>) target_semaphore(%run_scoped3A : memref<!tpu.dma_semaphore, #tpu.memory_space<semaphore_mem>>)
      tpu.wait_dma2 semaphore(%run_scoped3A : memref<!tpu.dma_semaphore, #tpu.memory_space<semaphore_mem>>) src(%arg4 : memref<128x128xf32, #tpu.memory_space<hbm>>) dst(%arg13 : memref<128x128xf32, #tpu.memory_space<vmem>>)
      tpu.yield
    }) : () -> ()
    %add3A_3 = arith.constant 0 : i32
    %add3A_4 = arith.addi %mul3A_2, %add3A_3 : i32
    "tpu.region"() ({
      %run_scoped3A = tpu.sem_alloc : memref<!tpu.dma_semaphore, #tpu.memory_space<semaphore_mem>>
      %dma_start3A_219 = arith.constant 0 : i32
      %dma_start3A_220 = tpu.memref_slice %arg16[%add3A_4, %dma_start3A_219] : memref<10240x128xf32, #tpu.memory_space<vmem_shared>> -> memref<128x128xf32, #tpu.memory_space<vmem_shared>>
      %dma_start3A_221 = arith.constant 0 : i32
      %dma_start3A_222 = tpu.memref_slice %arg16[%add3A_4, %dma_start3A_221] : memref<10240x128xf32, #tpu.memory_space<vmem_shared>> -> memref<128x128xf32, #tpu.memory_space<vmem_shared>>
      tpu.enqueue_dma source(%arg13 : memref<128x128xf32, #tpu.memory_space<vmem>>) target(%dma_start3A_222 : memref<128x128xf32, #tpu.memory_space<vmem_shared>>) target_semaphore(%run_scoped3A : memref<!tpu.dma_semaphore, #tpu.memory_space<semaphore_mem>>)
      %dma_wait3A_223 = arith.constant 0 : i32
      %dma_wait3A_224 = tpu.memref_slice %arg16[%add3A_4, %dma_wait3A_223] : memref<10240x128xf32, #tpu.memory_space<vmem_shared>> -> memref<128x128xf32, #tpu.memory_space<vmem_shared>>
      %dma_wait3A_225 = arith.constant 0 : i32
      %dma_wait3A_226 = tpu.memref_slice %arg16[%add3A_4, %dma_wait3A_225] : memref<10240x128xf32, #tpu.memory_space<vmem_shared>> -> memref<128x128xf32, #tpu.memory_space<vmem_shared>>
      tpu.wait_dma2 semaphore(%run_scoped3A : memref<!tpu.dma_semaphore, #tpu.memory_space<semaphore_mem>>) src(%arg13 : memref<128x128xf32, #tpu.memory_space<vmem>>) dst(%dma_wait3A_226 : memref<128x128xf32, #tpu.memory_space<vmem_shared>>)
      tpu.yield
    }) : () -> ()
    %add3A_5 = arith.constant 128 : i32
    %add3A_6 = arith.addi %mul3A_2, %add3A_5 : i32
    "tpu.region"() ({
      %run_scoped3A = tpu.sem_alloc : memref<!tpu.dma_semaphore, #tpu.memory_space<semaphore_mem>>
      %dma_start3A_219 = arith.constant 0 : i32
      %dma_start3A_220 = tpu.memref_slice %arg16[%add3A_6, %dma_start3A_219] : memref<10240x128xf32, #tpu.memory_space<vmem_shared>> -> memref<128x128xf32, #tpu.memory_space<vmem_shared>>
      %dma_start3A_221 = arith.constant 0 : i32
      %dma_start3A_222 = tpu.memref_slice %arg16[%add3A_6, %dma_start3A_221] : memref<10240x128xf32, #tpu.memory_space<vmem_shared>> -> memref<128x128xf32, #tpu.memory_space<vmem_shared>>
      tpu.enqueue_dma source(%arg13 : memref<128x128xf32, #tpu.memory_space<vmem>>) target(%dma_start3A_222 : memref<128x128xf32, #tpu.memory_space<vmem_shared>>) target_semaphore(%run_scoped3A : memref<!tpu.dma_semaphore, #tpu.memory_space<semaphore_mem>>)
      %dma_wait3A_223 = arith.constant 0 : i32
      %dma_wait3A_224 = tpu.memref_slice %arg16[%add3A_6, %dma_wait3A_223] : memref<10240x128xf32, #tpu.memory_space<vmem_shared>> -> memref<128x128xf32, #tpu.memory_space<vmem_shared>>
      %dma_wait3A_225 = arith.constant 0 : i32
      %dma_wait3A_226 = tpu.memref_slice %arg16[%add3A_6, %dma_wait3A_225] : memref<10240x128xf32, #tpu.memory_space<vmem_shared>> -> memref<128x128xf32, #tpu.memory_space<vmem_shared>>
      tpu.wait_dma2 semaphore(%run_scoped3A : memref<!tpu.dma_semaphore, #tpu.memory_space<semaphore_mem>>) src(%arg13 : memref<128x128xf32, #tpu.memory_space<vmem>>) dst(%dma_wait3A_226 : memref<128x128xf32, #tpu.memory_space<vmem_shared>>)
      tpu.yield
    }) : () -> ()
    %add3A_7 = arith.constant 256 : i32
    %add3A_8 = arith.addi %mul3A_2, %add3A_7 : i32
    "tpu.region"() ({
      %run_scoped3A = tpu.sem_alloc : memref<!tpu.dma_semaphore, #tpu.memory_space<semaphore_mem>>
      %dma_start3A_219 = arith.constant 0 : i32
      %dma_start3A_220 = tpu.memref_slice %arg16[%add3A_8, %dma_start3A_219] : memref<10240x128xf32, #tpu.memory_space<vmem_shared>> -> memref<128x128xf32, #tpu.memory_space<vmem_shared>>
      %dma_start3A_221 = arith.constant 0 : i32
      %dma_start3A_222 = tpu.memref_slice %arg16[%add3A_8, %dma_start3A_221] : memref<10240x128xf32, #tpu.memory_space<vmem_shared>> -> memref<128x128xf32, #tpu.memory_space<vmem_shared>>
      tpu.enqueue_dma source(%arg13 : memref<128x128xf32, #tpu.memory_space<vmem>>) target(%dma_start3A_222 : memref<128x128xf32, #tpu.memory_space<vmem_shared>>) target_semaphore(%run_scoped3A : memref<!tpu.dma_semaphore, #tpu.memory_space<semaphore_mem>>)
      %dma_wait3A_223 = arith.constant 0 : i32
      %dma_wait3A_224 = tpu.memref_slice %arg16[%add3A_8, %dma_wait3A_223] : memref<10240x128xf32, #tpu.memory_space<vmem_shared>> -> memref<128x128xf32, #tpu.memory_space<vmem_shared>>
      %dma_wait3A_225 = arith.constant 0 : i32
      %dma_wait3A_226 = tpu.memref_slice %arg16[%add3A_8, %dma_wait3A_225] : memref<10240x128xf32, #tpu.memory_space<vmem_shared>> -> memref<128x128xf32, #tpu.memory_space<vmem_shared>>
      tpu.wait_dma2 semaphore(%run_scoped3A : memref<!tpu.dma_semaphore, #tpu.memory_space<semaphore_mem>>) src(%arg13 : memref<128x128xf32, #tpu.memory_space<vmem>>) dst(%dma_wait3A_226 : memref<128x128xf32, #tpu.memory_space<vmem_shared>>)
      tpu.yield
    }) : () -> ()
    %add3A_9 = arith.constant 384 : i32
    %add3A_10 = arith.addi %mul3A_2, %add3A_9 : i32
    "tpu.region"() ({
      %run_scoped3A = tpu.sem_alloc : memref<!tpu.dma_semaphore, #tpu.memory_space<semaphore_mem>>
      %dma_start3A_219 = arith.constant 0 : i32
      %dma_start3A_220 = tpu.memref_slice %arg16[%add3A_10, %dma_start3A_219] : memref<10240x128xf32, #tpu.memory_space<vmem_shared>> -> memref<128x128xf32, #tpu.memory_space<vmem_shared>>
      %dma_start3A_221 = arith.constant 0 : i32
      %dma_start3A_222 = tpu.memref_slice %arg16[%add3A_10, %dma_start3A_221] : memref<10240x128xf32, #tpu.memory_space<vmem_shared>> -> memref<128x128xf32, #tpu.memory_space<vmem_shared>>
      tpu.enqueue_dma source(%arg13 : memref<128x128xf32, #tpu.memory_space<vmem>>) target(%dma_start3A_222 : memref<128x128xf32, #tpu.memory_space<vmem_shared>>) target_semaphore(%run_scoped3A : memref<!tpu.dma_semaphore, #tpu.memory_space<semaphore_mem>>)
      %dma_wait3A_223 = arith.constant 0 : i32
      %dma_wait3A_224 = tpu.memref_slice %arg16[%add3A_10, %dma_wait3A_223] : memref<10240x128xf32, #tpu.memory_space<vmem_shared>> -> memref<128x128xf32, #tpu.memory_space<vmem_shared>>
      %dma_wait3A_225 = arith.constant 0 : i32
      %dma_wait3A_226 = tpu.memref_slice %arg16[%add3A_10, %dma_wait3A_225] : memref<10240x128xf32, #tpu.memory_space<vmem_shared>> -> memref<128x128xf32, #tpu.memory_space<vmem_shared>>
      tpu.wait_dma2 semaphore(%run_scoped3A : memref<!tpu.dma_semaphore, #tpu.memory_space<semaphore_mem>>) src(%arg13 : memref<128x128xf32, #tpu.memory_space<vmem>>) dst(%dma_wait3A_226 : memref<128x128xf32, #tpu.memory_space<vmem_shared>>)
      tpu.yield
    }) : () -> ()
    %add3A_11 = arith.constant 512 : i32
    %add3A_12 = arith.addi %mul3A_2, %add3A_11 : i32
    "tpu.region"() ({
      %run_scoped3A = tpu.sem_alloc : memref<!tpu.dma_semaphore, #tpu.memory_space<semaphore_mem>>
      %dma_start3A_219 = arith.constant 0 : i32
      %dma_start3A_220 = tpu.memref_slice %arg16[%add3A_12, %dma_start3A_219] : memref<10240x128xf32, #tpu.memory_space<vmem_shared>> -> memref<128x128xf32, #tpu.memory_space<vmem_shared>>
      %dma_start3A_221 = arith.constant 0 : i32
      %dma_start3A_222 = tpu.memref_slice %arg16[%add3A_12, %dma_start3A_221] : memref<10240x128xf32, #tpu.memory_space<vmem_shared>> -> memref<128x128xf32, #tpu.memory_space<vmem_shared>>
      tpu.enqueue_dma source(%arg13 : memref<128x128xf32, #tpu.memory_space<vmem>>) target(%dma_start3A_222 : memref<128x128xf32, #tpu.memory_space<vmem_shared>>) target_semaphore(%run_scoped3A : memref<!tpu.dma_semaphore, #tpu.memory_space<semaphore_mem>>)
      %dma_wait3A_223 = arith.constant 0 : i32
      %dma_wait3A_224 = tpu.memref_slice %arg16[%add3A_12, %dma_wait3A_223] : memref<10240x128xf32, #tpu.memory_space<vmem_shared>> -> memref<128x128xf32, #tpu.memory_space<vmem_shared>>
      %dma_wait3A_225 = arith.constant 0 : i32
      %dma_wait3A_226 = tpu.memref_slice %arg16[%add3A_12, %dma_wait3A_225] : memref<10240x128xf32, #tpu.memory_space<vmem_shared>> -> memref<128x128xf32, #tpu.memory_space<vmem_shared>>
      tpu.wait_dma2 semaphore(%run_scoped3A : memref<!tpu.dma_semaphore, #tpu.memory_space<semaphore_mem>>) src(%arg13 : memref<128x128xf32, #tpu.memory_space<vmem>>) dst(%dma_wait3A_226 : memref<128x128xf32, #tpu.memory_space<vmem_shared>>)
      tpu.yield
    }) : () -> ()
    "tpu.region"() ({
      %run_scoped3A = tpu.sem_alloc : memref<!tpu.dma_semaphore, #tpu.memory_space<semaphore_mem>>
      %dma_start3A_219 = tpu.memref_slice %arg17[%mul3A_2] : memref<10240xf32, #tpu.memory_space<vmem_shared>> -> memref<640xf32, #tpu.memory_space<vmem_shared>>
      %dma_start3A_220 = tpu.memref_slice %arg5[%mul3A_2] : memref<10240xf32, #tpu.memory_space<hbm>> -> memref<640xf32, #tpu.memory_space<hbm>>
      tpu.enqueue_dma source(%dma_start3A_220 : memref<640xf32, #tpu.memory_space<hbm>>) target(%dma_start3A_219 : memref<640xf32, #tpu.memory_space<vmem_shared>>) target_semaphore(%run_scoped3A : memref<!tpu.dma_semaphore, #tpu.memory_space<semaphore_mem>>)
      %dma_wait3A_221 = tpu.memref_slice %arg17[%mul3A_2] : memref<10240xf32, #tpu.memory_space<vmem_shared>> -> memref<640xf32, #tpu.memory_space<vmem_shared>>
      %dma_wait3A_222 = tpu.memref_slice %arg5[%mul3A_2] : memref<10240xf32, #tpu.memory_space<hbm>> -> memref<640xf32, #tpu.memory_space<hbm>>
      tpu.wait_dma2 semaphore(%run_scoped3A : memref<!tpu.dma_semaphore, #tpu.memory_space<semaphore_mem>>) src(%dma_wait3A_222 : memref<640xf32, #tpu.memory_space<hbm>>) dst(%dma_wait3A_221 : memref<640xf32, #tpu.memory_space<vmem_shared>>)
      tpu.yield
    }) : () -> ()
    %broadcast_in_dim3A = arith.constant 1.000000e+00 : f32
    %broadcast_in_dim3A_13 = vector.broadcast %broadcast_in_dim3A : f32 to vector<16xf32>
    %swap3A = arith.constant 0 : index
    %swap3A_14 = tpu.vector_load %arg15[%swap3A] {strides = array<i32>} : memref<128xf32, #tpu.memory_space<vmem>>, vector<16xf32>,
    %swap3A_15 = vector.shape_cast %swap3A_14 : vector<16xf32> to vector<16xf32>
    %swap3A_16 = vector.shape_cast %broadcast_in_dim3A_13 : vector<16xf32> to vector<16xf32>
    tpu.vector_store %arg15[%swap3A], %swap3A_16 {strides = array<i32>} : memref<128xf32, #tpu.memory_space<vmem>>, vector<16xf32>,
    %broadcast_in_dim3A_17 = arith.constant 1.000000e+00 : f32
    %broadcast_in_dim3A_18 = vector.broadcast %broadcast_in_dim3A_17 : f32 to vector<16xf32>
    %swap3A_19 = arith.constant 16 : index
    %swap3A_20 = tpu.vector_load %arg15[%swap3A_19] {strides = array<i32>} : memref<128xf32, #tpu.memory_space<vmem>>, vector<16xf32>,
    %swap3A_21 = vector.shape_cast %swap3A_20 : vector<16xf32> to vector<16xf32>
    %swap3A_22 = vector.shape_cast %broadcast_in_dim3A_18 : vector<16xf32> to vector<16xf32>
    tpu.vector_store %arg15[%swap3A_19], %swap3A_22 {strides = array<i32>} : memref<128xf32, #tpu.memory_space<vmem>>, vector<16xf32>,
    %broadcast_in_dim3A_23 = arith.constant 1.000000e+00 : f32
    %broadcast_in_dim3A_24 = vector.broadcast %broadcast_in_dim3A_23 : f32 to vector<16xf32>
    %swap3A_25 = arith.constant 32 : index
    %swap3A_26 = tpu.vector_load %arg15[%swap3A_25] {strides = array<i32>} : memref<128xf32, #tpu.memory_space<vmem>>, vector<16xf32>,
    %swap3A_27 = vector.shape_cast %swap3A_26 : vector<16xf32> to vector<16xf32>
    %swap3A_28 = vector.shape_cast %broadcast_in_dim3A_24 : vector<16xf32> to vector<16xf32>
    tpu.vector_store %arg15[%swap3A_25], %swap3A_28 {strides = array<i32>} : memref<128xf32, #tpu.memory_space<vmem>>, vector<16xf32>,
    %broadcast_in_dim3A_29 = arith.constant 1.000000e+00 : f32
    %broadcast_in_dim3A_30 = vector.broadcast %broadcast_in_dim3A_29 : f32 to vector<16xf32>
    %swap3A_31 = arith.constant 48 : index
    %swap3A_32 = tpu.vector_load %arg15[%swap3A_31] {strides = array<i32>} : memref<128xf32, #tpu.memory_space<vmem>>, vector<16xf32>,
    %swap3A_33 = vector.shape_cast %swap3A_32 : vector<16xf32> to vector<16xf32>
    %swap3A_34 = vector.shape_cast %broadcast_in_dim3A_30 : vector<16xf32> to vector<16xf32>
    tpu.vector_store %arg15[%swap3A_31], %swap3A_34 {strides = array<i32>} : memref<128xf32, #tpu.memory_space<vmem>>, vector<16xf32>,
    %broadcast_in_dim3A_35 = arith.constant 1.000000e+00 : f32
    %broadcast_in_dim3A_36 = vector.broadcast %broadcast_in_dim3A_35 : f32 to vector<16xf32>
    %swap3A_37 = arith.constant 64 : index
    %swap3A_38 = tpu.vector_load %arg15[%swap3A_37] {strides = array<i32>} : memref<128xf32, #tpu.memory_space<vmem>>, vector<16xf32>,
    %swap3A_39 = vector.shape_cast %swap3A_38 : vector<16xf32> to vector<16xf32>
    %swap3A_40 = vector.shape_cast %broadcast_in_dim3A_36 : vector<16xf32> to vector<16xf32>
    tpu.vector_store %arg15[%swap3A_37], %swap3A_40 {strides = array<i32>} : memref<128xf32, #tpu.memory_space<vmem>>, vector<16xf32>,
    %broadcast_in_dim3A_41 = arith.constant 1.000000e+00 : f32
    %broadcast_in_dim3A_42 = vector.broadcast %broadcast_in_dim3A_41 : f32 to vector<16xf32>
    %swap3A_43 = arith.constant 80 : index
    %swap3A_44 = tpu.vector_load %arg15[%swap3A_43] {strides = array<i32>} : memref<128xf32, #tpu.memory_space<vmem>>, vector<16xf32>,
    %swap3A_45 = vector.shape_cast %swap3A_44 : vector<16xf32> to vector<16xf32>
    %swap3A_46 = vector.shape_cast %broadcast_in_dim3A_42 : vector<16xf32> to vector<16xf32>
    tpu.vector_store %arg15[%swap3A_43], %swap3A_46 {strides = array<i32>} : memref<128xf32, #tpu.memory_space<vmem>>, vector<16xf32>,
    %broadcast_in_dim3A_47 = arith.constant 1.000000e+00 : f32
    %broadcast_in_dim3A_48 = vector.broadcast %broadcast_in_dim3A_47 : f32 to vector<16xf32>
    %swap3A_49 = arith.constant 96 : index
    %swap3A_50 = tpu.vector_load %arg15[%swap3A_49] {strides = array<i32>} : memref<128xf32, #tpu.memory_space<vmem>>, vector<16xf32>,
    %swap3A_51 = vector.shape_cast %swap3A_50 : vector<16xf32> to vector<16xf32>
    %swap3A_52 = vector.shape_cast %broadcast_in_dim3A_48 : vector<16xf32> to vector<16xf32>
    tpu.vector_store %arg15[%swap3A_49], %swap3A_52 {strides = array<i32>} : memref<128xf32, #tpu.memory_space<vmem>>, vector<16xf32>,
    %broadcast_in_dim3A_53 = arith.constant 1.000000e+00 : f32
    %broadcast_in_dim3A_54 = vector.broadcast %broadcast_in_dim3A_53 : f32 to vector<16xf32>
    %swap3A_55 = arith.constant 112 : index
    %swap3A_56 = tpu.vector_load %arg15[%swap3A_55] {strides = array<i32>} : memref<128xf32, #tpu.memory_space<vmem>>, vector<16xf32>,
    %swap3A_57 = vector.shape_cast %swap3A_56 : vector<16xf32> to vector<16xf32>
    %swap3A_58 = vector.shape_cast %broadcast_in_dim3A_54 : vector<16xf32> to vector<16xf32>
    tpu.vector_store %arg15[%swap3A_55], %swap3A_58 {strides = array<i32>} : memref<128xf32, #tpu.memory_space<vmem>>, vector<16xf32>,
    %barrier3A = arith.constant 0 : index
    tpu.barrier barrier_id(%barrier3A)
    %get3A = arith.constant 0 : i32
    %get3A_59 = arith.index_cast %get3A : i32 to index
    %get3A_60 = arith.constant 0 : index
    %get3A_61 = tpu.vector_load %arg8[%get3A_59, %get3A_60] {strides = array<i32>} : memref<79x128xi32, #tpu.memory_space<vmem>>, vector<1x16xi32>,
    %get3A_62 = vector.shape_cast %get3A_61 : vector<1x16xi32> to vector<16xi32>
    %shift_right_logical3A = arith.constant 14 : i32
    %shift_right_logical3A_63 = vector.broadcast %shift_right_logical3A : i32 to vector<16xi32>
    %shift_right_logical3A_64 = arith.shrui %get3A_62, %shift_right_logical3A_63 : vector<16xi32>
    %swap3A_65 = arith.constant 0 : index
    %swap3A_66 = tpu.vector_load %arg9[%swap3A_65] {strides = array<i32>} : memref<128xi32, #tpu.memory_space<vmem>>, vector<16xi32>,
    %swap3A_67 = vector.shape_cast %swap3A_66 : vector<16xi32> to vector<16xi32>
    %swap3A_68 = vector.shape_cast %shift_right_logical3A_64 : vector<16xi32> to vector<16xi32>
    tpu.vector_store %arg9[%swap3A_65], %swap3A_68 {strides = array<i32>} : memref<128xi32, #tpu.memory_space<vmem>>, vector<16xi32>,
    %and3A = arith.constant 16383 : i32
    %and3A_69 = vector.broadcast %and3A : i32 to vector<16xi32>
    %and3A_70 = arith.andi %get3A_62, %and3A_69 : vector<16xi32>
    %swap3A_71 = arith.constant 0 : index
    %swap3A_72 = tpu.vector_load %arg11[%swap3A_71] {strides = array<i32>} : memref<128xi32, #tpu.memory_space<vmem>>, vector<16xi32>,
    %swap3A_73 = vector.shape_cast %swap3A_72 : vector<16xi32> to vector<16xi32>
    %swap3A_74 = vector.shape_cast %and3A_70 : vector<16xi32> to vector<16xi32>
    tpu.vector_store %arg11[%swap3A_71], %swap3A_74 {strides = array<i32>} : memref<128xi32, #tpu.memory_space<vmem>>, vector<16xi32>,
    %get3A_75 = arith.constant 0 : i32
    %get3A_76 = arith.index_cast %get3A_75 : i32 to index
    %get3A_77 = arith.constant 16 : index
    %get3A_78 = tpu.vector_load %arg8[%get3A_76, %get3A_77] {strides = array<i32>} : memref<79x128xi32, #tpu.memory_space<vmem>>, vector<1x16xi32>,
    %get3A_79 = vector.shape_cast %get3A_78 : vector<1x16xi32> to vector<16xi32>
    %shift_right_logical3A_80 = arith.constant 14 : i32
    %shift_right_logical3A_81 = vector.broadcast %shift_right_logical3A_80 : i32 to vector<16xi32>
    %shift_right_logical3A_82 = arith.shrui %get3A_79, %shift_right_logical3A_81 : vector<16xi32>
    %swap3A_83 = arith.constant 16 : index
    %swap3A_84 = tpu.vector_load %arg9[%swap3A_83] {strides = array<i32>} : memref<128xi32, #tpu.memory_space<vmem>>, vector<16xi32>,
    %swap3A_85 = vector.shape_cast %swap3A_84 : vector<16xi32> to vector<16xi32>
    %swap3A_86 = vector.shape_cast %shift_right_logical3A_82 : vector<16xi32> to vector<16xi32>
    tpu.vector_store %arg9[%swap3A_83], %swap3A_86 {strides = array<i32>} : memref<128xi32, #tpu.memory_space<vmem>>, vector<16xi32>,
    %and3A_87 = arith.constant 16383 : i32
    %and3A_88 = vector.broadcast %and3A_87 : i32 to vector<16xi32>
    %and3A_89 = arith.andi %get3A_79, %and3A_88 : vector<16xi32>
    %swap3A_90 = arith.constant 16 : index
    %swap3A_91 = tpu.vector_load %arg11[%swap3A_90] {strides = array<i32>} : memref<128xi32, #tpu.memory_space<vmem>>, vector<16xi32>,
    %swap3A_92 = vector.shape_cast %swap3A_91 : vector<16xi32> to vector<16xi32>
    %swap3A_93 = vector.shape_cast %and3A_89 : vector<16xi32> to vector<16xi32>
    tpu.vector_store %arg11[%swap3A_90], %swap3A_93 {strides = array<i32>} : memref<128xi32, #tpu.memory_space<vmem>>, vector<16xi32>,
    %get3A_94 = arith.constant 0 : i32
    %get3A_95 = arith.index_cast %get3A_94 : i32 to index
    %get3A_96 = arith.constant 32 : index
    %get3A_97 = tpu.vector_load %arg8[%get3A_95, %get3A_96] {strides = array<i32>} : memref<79x128xi32, #tpu.memory_space<vmem>>, vector<1x16xi32>,
    %get3A_98 = vector.shape_cast %get3A_97 : vector<1x16xi32> to vector<16xi32>
    %shift_right_logical3A_99 = arith.constant 14 : i32
    %shift_right_logical3A_100 = vector.broadcast %shift_right_logical3A_99 : i32 to vector<16xi32>
    %shift_right_logical3A_101 = arith.shrui %get3A_98, %shift_right_logical3A_100 : vector<16xi32>
    %swap3A_102 = arith.constant 32 : index
    %swap3A_103 = tpu.vector_load %arg9[%swap3A_102] {strides = array<i32>} : memref<128xi32, #tpu.memory_space<vmem>>, vector<16xi32>,
    %swap3A_104 = vector.shape_cast %swap3A_103 : vector<16xi32> to vector<16xi32>
    %swap3A_105 = vector.shape_cast %shift_right_logical3A_101 : vector<16xi32> to vector<16xi32>
    tpu.vector_store %arg9[%swap3A_102], %swap3A_105 {strides = array<i32>} : memref<128xi32, #tpu.memory_space<vmem>>, vector<16xi32>,
    %and3A_106 = arith.constant 16383 : i32
    %and3A_107 = vector.broadcast %and3A_106 : i32 to vector<16xi32>
    %and3A_108 = arith.andi %get3A_98, %and3A_107 : vector<16xi32>
    %swap3A_109 = arith.constant 32 : index
    %swap3A_110 = tpu.vector_load %arg11[%swap3A_109] {strides = array<i32>} : memref<128xi32, #tpu.memory_space<vmem>>, vector<16xi32>,
    %swap3A_111 = vector.shape_cast %swap3A_110 : vector<16xi32> to vector<16xi32>
    %swap3A_112 = vector.shape_cast %and3A_108 : vector<16xi32> to vector<16xi32>
    tpu.vector_store %arg11[%swap3A_109], %swap3A_112 {strides = array<i32>} : memref<128xi32, #tpu.memory_space<vmem>>, vector<16xi32>,
    %get3A_113 = arith.constant 0 : i32
    %get3A_114 = arith.index_cast %get3A_113 : i32 to index
    %get3A_115 = arith.constant 48 : index
    %get3A_116 = tpu.vector_load %arg8[%get3A_114, %get3A_115] {strides = array<i32>} : memref<79x128xi32, #tpu.memory_space<vmem>>, vector<1x16xi32>,
    %get3A_117 = vector.shape_cast %get3A_116 : vector<1x16xi32> to vector<16xi32>
    %shift_right_logical3A_118 = arith.constant 14 : i32
    %shift_right_logical3A_119 = vector.broadcast %shift_right_logical3A_118 : i32 to vector<16xi32>
    %shift_right_logical3A_120 = arith.shrui %get3A_117, %shift_right_logical3A_119 : vector<16xi32>
    %swap3A_121 = arith.constant 48 : index
    %swap3A_122 = tpu.vector_load %arg9[%swap3A_121] {strides = array<i32>} : memref<128xi32, #tpu.memory_space<vmem>>, vector<16xi32>,
    %swap3A_123 = vector.shape_cast %swap3A_122 : vector<16xi32> to vector<16xi32>
    %swap3A_124 = vector.shape_cast %shift_right_logical3A_120 : vector<16xi32> to vector<16xi32>
    tpu.vector_store %arg9[%swap3A_121], %swap3A_124 {strides = array<i32>} : memref<128xi32, #tpu.memory_space<vmem>>, vector<16xi32>,
    %and3A_125 = arith.constant 16383 : i32
    %and3A_126 = vector.broadcast %and3A_125 : i32 to vector<16xi32>
    %and3A_127 = arith.andi %get3A_117, %and3A_126 : vector<16xi32>
    %swap3A_128 = arith.constant 48 : index
    %swap3A_129 = tpu.vector_load %arg11[%swap3A_128] {strides = array<i32>} : memref<128xi32, #tpu.memory_space<vmem>>, vector<16xi32>,
    %swap3A_130 = vector.shape_cast %swap3A_129 : vector<16xi32> to vector<16xi32>
    %swap3A_131 = vector.shape_cast %and3A_127 : vector<16xi32> to vector<16xi32>
    tpu.vector_store %arg11[%swap3A_128], %swap3A_131 {strides = array<i32>} : memref<128xi32, #tpu.memory_space<vmem>>, vector<16xi32>,
    %get3A_132 = arith.constant 0 : i32
    %get3A_133 = arith.index_cast %get3A_132 : i32 to index
    %get3A_134 = arith.constant 64 : index
    %get3A_135 = tpu.vector_load %arg8[%get3A_133, %get3A_134] {strides = array<i32>} : memref<79x128xi32, #tpu.memory_space<vmem>>, vector<1x16xi32>,
    %get3A_136 = vector.shape_cast %get3A_135 : vector<1x16xi32> to vector<16xi32>
    %shift_right_logical3A_137 = arith.constant 14 : i32
    %shift_right_logical3A_138 = vector.broadcast %shift_right_logical3A_137 : i32 to vector<16xi32>
    %shift_right_logical3A_139 = arith.shrui %get3A_136, %shift_right_logical3A_138 : vector<16xi32>
    %swap3A_140 = arith.constant 64 : index
    %swap3A_141 = tpu.vector_load %arg9[%swap3A_140] {strides = array<i32>} : memref<128xi32, #tpu.memory_space<vmem>>, vector<16xi32>,
    %swap3A_142 = vector.shape_cast %swap3A_141 : vector<16xi32> to vector<16xi32>
    %swap3A_143 = vector.shape_cast %shift_right_logical3A_139 : vector<16xi32> to vector<16xi32>
    tpu.vector_store %arg9[%swap3A_140], %swap3A_143 {strides = array<i32>} : memref<128xi32, #tpu.memory_space<vmem>>, vector<16xi32>,
    %and3A_144 = arith.constant 16383 : i32
    %and3A_145 = vector.broadcast %and3A_144 : i32 to vector<16xi32>
    %and3A_146 = arith.andi %get3A_136, %and3A_145 : vector<16xi32>
    %swap3A_147 = arith.constant 64 : index
    %swap3A_148 = tpu.vector_load %arg11[%swap3A_147] {strides = array<i32>} : memref<128xi32, #tpu.memory_space<vmem>>, vector<16xi32>,
    %swap3A_149 = vector.shape_cast %swap3A_148 : vector<16xi32> to vector<16xi32>
    %swap3A_150 = vector.shape_cast %and3A_146 : vector<16xi32> to vector<16xi32>
    tpu.vector_store %arg11[%swap3A_147], %swap3A_150 {strides = array<i32>} : memref<128xi32, #tpu.memory_space<vmem>>, vector<16xi32>,
    %get3A_151 = arith.constant 0 : i32
    %get3A_152 = arith.index_cast %get3A_151 : i32 to index
    %get3A_153 = arith.constant 80 : index
    %get3A_154 = tpu.vector_load %arg8[%get3A_152, %get3A_153] {strides = array<i32>} : memref<79x128xi32, #tpu.memory_space<vmem>>, vector<1x16xi32>,
    %get3A_155 = vector.shape_cast %get3A_154 : vector<1x16xi32> to vector<16xi32>
    %shift_right_logical3A_156 = arith.constant 14 : i32
    %shift_right_logical3A_157 = vector.broadcast %shift_right_logical3A_156 : i32 to vector<16xi32>
    %shift_right_logical3A_158 = arith.shrui %get3A_155, %shift_right_logical3A_157 : vector<16xi32>
    %swap3A_159 = arith.constant 80 : index
    %swap3A_160 = tpu.vector_load %arg9[%swap3A_159] {strides = array<i32>} : memref<128xi32, #tpu.memory_space<vmem>>, vector<16xi32>,
    %swap3A_161 = vector.shape_cast %swap3A_160 : vector<16xi32> to vector<16xi32>
    %swap3A_162 = vector.shape_cast %shift_right_logical3A_158 : vector<16xi32> to vector<16xi32>
    tpu.vector_store %arg9[%swap3A_159], %swap3A_162 {strides = array<i32>} : memref<128xi32, #tpu.memory_space<vmem>>, vector<16xi32>,
    %and3A_163 = arith.constant 16383 : i32
    %and3A_164 = vector.broadcast %and3A_163 : i32 to vector<16xi32>
    %and3A_165 = arith.andi %get3A_155, %and3A_164 : vector<16xi32>
    %swap3A_166 = arith.constant 80 : index
    %swap3A_167 = tpu.vector_load %arg11[%swap3A_166] {strides = array<i32>} : memref<128xi32, #tpu.memory_space<vmem>>, vector<16xi32>,
    %swap3A_168 = vector.shape_cast %swap3A_167 : vector<16xi32> to vector<16xi32>
    %swap3A_169 = vector.shape_cast %and3A_165 : vector<16xi32> to vector<16xi32>
    tpu.vector_store %arg11[%swap3A_166], %swap3A_169 {strides = array<i32>} : memref<128xi32, #tpu.memory_space<vmem>>, vector<16xi32>,
    %get3A_170 = arith.constant 0 : i32
    %get3A_171 = arith.index_cast %get3A_170 : i32 to index
    %get3A_172 = arith.constant 96 : index
    %get3A_173 = tpu.vector_load %arg8[%get3A_171, %get3A_172] {strides = array<i32>} : memref<79x128xi32, #tpu.memory_space<vmem>>, vector<1x16xi32>,
    %get3A_174 = vector.shape_cast %get3A_173 : vector<1x16xi32> to vector<16xi32>
    %shift_right_logical3A_175 = arith.constant 14 : i32
    %shift_right_logical3A_176 = vector.broadcast %shift_right_logical3A_175 : i32 to vector<16xi32>
    %shift_right_logical3A_177 = arith.shrui %get3A_174, %shift_right_logical3A_176 : vector<16xi32>
    %swap3A_178 = arith.constant 96 : index
    %swap3A_179 = tpu.vector_load %arg9[%swap3A_178] {strides = array<i32>} : memref<128xi32, #tpu.memory_space<vmem>>, vector<16xi32>,
    %swap3A_180 = vector.shape_cast %swap3A_179 : vector<16xi32> to vector<16xi32>
    %swap3A_181 = vector.shape_cast %shift_right_logical3A_177 : vector<16xi32> to vector<16xi32>
    tpu.vector_store %arg9[%swap3A_178], %swap3A_181 {strides = array<i32>} : memref<128xi32, #tpu.memory_space<vmem>>, vector<16xi32>,
    %and3A_182 = arith.constant 16383 : i32
    %and3A_183 = vector.broadcast %and3A_182 : i32 to vector<16xi32>
    %and3A_184 = arith.andi %get3A_174, %and3A_183 : vector<16xi32>
    %swap3A_185 = arith.constant 96 : index
    %swap3A_186 = tpu.vector_load %arg11[%swap3A_185] {strides = array<i32>} : memref<128xi32, #tpu.memory_space<vmem>>, vector<16xi32>,
    %swap3A_187 = vector.shape_cast %swap3A_186 : vector<16xi32> to vector<16xi32>
    %swap3A_188 = vector.shape_cast %and3A_184 : vector<16xi32> to vector<16xi32>
    tpu.vector_store %arg11[%swap3A_185], %swap3A_188 {strides = array<i32>} : memref<128xi32, #tpu.memory_space<vmem>>, vector<16xi32>,
    %get3A_189 = arith.constant 0 : i32
    %get3A_190 = arith.index_cast %get3A_189 : i32 to index
    %get3A_191 = arith.constant 112 : index
    %get3A_192 = tpu.vector_load %arg8[%get3A_190, %get3A_191] {strides = array<i32>} : memref<79x128xi32, #tpu.memory_space<vmem>>, vector<1x16xi32>,
    %get3A_193 = vector.shape_cast %get3A_192 : vector<1x16xi32> to vector<16xi32>
    %shift_right_logical3A_194 = arith.constant 14 : i32
    %shift_right_logical3A_195 = vector.broadcast %shift_right_logical3A_194 : i32 to vector<16xi32>
    %shift_right_logical3A_196 = arith.shrui %get3A_193, %shift_right_logical3A_195 : vector<16xi32>
    %swap3A_197 = arith.constant 112 : index
    %swap3A_198 = tpu.vector_load %arg9[%swap3A_197] {strides = array<i32>} : memref<128xi32, #tpu.memory_space<vmem>>, vector<16xi32>,
    %swap3A_199 = vector.shape_cast %swap3A_198 : vector<16xi32> to vector<16xi32>
    %swap3A_200 = vector.shape_cast %shift_right_logical3A_196 : vector<16xi32> to vector<16xi32>
    tpu.vector_store %arg9[%swap3A_197], %swap3A_200 {strides = array<i32>} : memref<128xi32, #tpu.memory_space<vmem>>, vector<16xi32>,
    %and3A_201 = arith.constant 16383 : i32
    %and3A_202 = vector.broadcast %and3A_201 : i32 to vector<16xi32>
    %and3A_203 = arith.andi %get3A_193, %and3A_202 : vector<16xi32>
    %swap3A_204 = arith.constant 112 : index
    %swap3A_205 = tpu.vector_load %arg11[%swap3A_204] {strides = array<i32>} : memref<128xi32, #tpu.memory_space<vmem>>, vector<16xi32>,
    %swap3A_206 = vector.shape_cast %swap3A_205 : vector<16xi32> to vector<16xi32>
    %swap3A_207 = vector.shape_cast %and3A_203 : vector<16xi32> to vector<16xi32>
    tpu.vector_store %arg11[%swap3A_204], %swap3A_207 {strides = array<i32>} : memref<128xi32, #tpu.memory_space<vmem>>, vector<16xi32>,
    %dma_start3A = arith.constant 0 : i32
    %dma_start3A_208 = arith.constant 0 : i32
    %dma_start3A_209 = tpu.memref_slice %arg2[%dma_start3A, %dma_start3A_208] : memref<10000x128xf32, #tpu.memory_space<hbm>> -> memref<10000x128xf32, #tpu.memory_space<hbm>>
    tpu.enqueue_indirect_dma source(%dma_start3A_209 : memref<10000x128xf32, #tpu.memory_space<hbm>>) target(%arg13 : memref<128x128xf32, #tpu.memory_space<vmem>>) offsets(%arg9 : memref<128xi32, #tpu.memory_space<vmem>>) semaphore(%arg18 : memref<!tpu.dma_semaphore, #tpu.memory_space<semaphore_mem>>)
    %scan3A = arith.constant 0 : i32
    %scan3A_210 = arith.constant 16383 : i32
    %scan3A_211 = arith.constant 0 : i32
    %scan3A_212 = arith.constant 39 : i32
    %scan3A_213 = arith.addi %scan3A_211, %scan3A_212 : i32
    %scan3A_214 = arith.constant 1 : i32
    scf.for %scan3A_219 = %scan3A_211 to %scan3A_213 step %scan3A_214  : i32 {
      %mul3A_220 = arith.constant 2 : i32
      %mul3A_221 = arith.muli %mul3A_220, %scan3A_219 : i32
      %add3A_222 = arith.constant 1 : i32
      %add3A_223 = arith.addi %mul3A_221, %add3A_222 : i32
      %get3A_224 = arith.index_cast %add3A_223 : i32 to index
      %get3A_225 = arith.constant 0 : index
      %get3A_226 = tpu.vector_load %arg8[%get3A_224, %get3A_225] {strides = array<i32>} : memref<79x128xi32, #tpu.memory_space<vmem>>, vector<1x16xi32>,
      %get3A_227 = vector.shape_cast %get3A_226 : vector<1x16xi32> to vector<16xi32>
      %shift_right_logical3A_228 = arith.constant 14 : i32
      %shift_right_logical3A_229 = vector.broadcast %shift_right_logical3A_228 : i32 to vector<16xi32>
      %shift_right_logical3A_230 = arith.shrui %get3A_227, %shift_right_logical3A_229 : vector<16xi32>
      %swap3A_231 = arith.constant 0 : index
      %swap3A_232 = tpu.vector_load %arg10[%swap3A_231] {strides = array<i32>} : memref<128xi32, #tpu.memory_space<vmem>>, vector<16xi32>,
      %swap3A_233 = vector.shape_cast %swap3A_232 : vector<16xi32> to vector<16xi32>
      %swap3A_234 = vector.shape_cast %shift_right_logical3A_230 : vector<16xi32> to vector<16xi32>
      tpu.vector_store %arg10[%swap3A_231], %swap3A_234 {strides = array<i32>} : memref<128xi32, #tpu.memory_space<vmem>>, vector<16xi32>,
      %and3A_235 = vector.broadcast %scan3A_210 : i32 to vector<16xi32>
      %and3A_236 = arith.andi %get3A_227, %and3A_235 : vector<16xi32>
      %swap3A_237 = arith.constant 0 : index
      %swap3A_238 = tpu.vector_load %arg12[%swap3A_237] {strides = array<i32>} : memref<128xi32, #tpu.memory_space<vmem>>, vector<16xi32>,
      %swap3A_239 = vector.shape_cast %swap3A_238 : vector<16xi32> to vector<16xi32>
      %swap3A_240 = vector.shape_cast %and3A_236 : vector<16xi32> to vector<16xi32>
      tpu.vector_store %arg12[%swap3A_237], %swap3A_240 {strides = array<i32>} : memref<128xi32, #tpu.memory_space<vmem>>, vector<16xi32>,
      %get3A_241 = arith.index_cast %add3A_223 : i32 to index
      %get3A_242 = arith.constant 16 : index
      %get3A_243 = tpu.vector_load %arg8[%get3A_241, %get3A_242] {strides = array<i32>} : memref<79x128xi32, #tpu.memory_space<vmem>>, vector<1x16xi32>,
      %get3A_244 = vector.shape_cast %get3A_243 : vector<1x16xi32> to vector<16xi32>
      %shift_right_logical3A_245 = arith.constant 14 : i32
      %shift_right_logical3A_246 = vector.broadcast %shift_right_logical3A_245 : i32 to vector<16xi32>
      %shift_right_logical3A_247 = arith.shrui %get3A_244, %shift_right_logical3A_246 : vector<16xi32>
      %swap3A_248 = arith.constant 16 : index
      %swap3A_249 = tpu.vector_load %arg10[%swap3A_248] {strides = array<i32>} : memref<128xi32, #tpu.memory_space<vmem>>, vector<16xi32>,
      %swap3A_250 = vector.shape_cast %swap3A_249 : vector<16xi32> to vector<16xi32>
      %swap3A_251 = vector.shape_cast %shift_right_logical3A_247 : vector<16xi32> to vector<16xi32>
      tpu.vector_store %arg10[%swap3A_248], %swap3A_251 {strides = array<i32>} : memref<128xi32, #tpu.memory_space<vmem>>, vector<16xi32>,
      %and3A_252 = vector.broadcast %scan3A_210 : i32 to vector<16xi32>
      %and3A_253 = arith.andi %get3A_244, %and3A_252 : vector<16xi32>
      %swap3A_254 = arith.constant 16 : index
      %swap3A_255 = tpu.vector_load %arg12[%swap3A_254] {strides = array<i32>} : memref<128xi32, #tpu.memory_space<vmem>>, vector<16xi32>,
      %swap3A_256 = vector.shape_cast %swap3A_255 : vector<16xi32> to vector<16xi32>
      %swap3A_257 = vector.shape_cast %and3A_253 : vector<16xi32> to vector<16xi32>
      tpu.vector_store %arg12[%swap3A_254], %swap3A_257 {strides = array<i32>} : memref<128xi32, #tpu.memory_space<vmem>>, vector<16xi32>,
      %get3A_258 = arith.index_cast %add3A_223 : i32 to index
      %get3A_259 = arith.constant 32 : index
      %get3A_260 = tpu.vector_load %arg8[%get3A_258, %get3A_259] {strides = array<i32>} : memref<79x128xi32, #tpu.memory_space<vmem>>, vector<1x16xi32>,
      %get3A_261 = vector.shape_cast %get3A_260 : vector<1x16xi32> to vector<16xi32>
      %shift_right_logical3A_262 = arith.constant 14 : i32
      %shift_right_logical3A_263 = vector.broadcast %shift_right_logical3A_262 : i32 to vector<16xi32>
      %shift_right_logical3A_264 = arith.shrui %get3A_261, %shift_right_logical3A_263 : vector<16xi32>
      %swap3A_265 = arith.constant 32 : index
      %swap3A_266 = tpu.vector_load %arg10[%swap3A_265] {strides = array<i32>} : memref<128xi32, #tpu.memory_space<vmem>>, vector<16xi32>,
      %swap3A_267 = vector.shape_cast %swap3A_266 : vector<16xi32> to vector<16xi32>
      %swap3A_268 = vector.shape_cast %shift_right_logical3A_264 : vector<16xi32> to vector<16xi32>
      tpu.vector_store %arg10[%swap3A_265], %swap3A_268 {strides = array<i32>} : memref<128xi32, #tpu.memory_space<vmem>>, vector<16xi32>,
      %and3A_269 = vector.broadcast %scan3A_210 : i32 to vector<16xi32>
      %and3A_270 = arith.andi %get3A_261, %and3A_269 : vector<16xi32>
      %swap3A_271 = arith.constant 32 : index
      %swap3A_272 = tpu.vector_load %arg12[%swap3A_271] {strides = array<i32>} : memref<128xi32, #tpu.memory_space<vmem>>, vector<16xi32>,
      %swap3A_273 = vector.shape_cast %swap3A_272 : vector<16xi32> to vector<16xi32>
      %swap3A_274 = vector.shape_cast %and3A_270 : vector<16xi32> to vector<16xi32>
      tpu.vector_store %arg12[%swap3A_271], %swap3A_274 {strides = array<i32>} : memref<128xi32, #tpu.memory_space<vmem>>, vector<16xi32>,
      %get3A_275 = arith.index_cast %add3A_223 : i32 to index
      %get3A_276 = arith.constant 48 : index
      %get3A_277 = tpu.vector_load %arg8[%get3A_275, %get3A_276] {strides = array<i32>} : memref<79x128xi32, #tpu.memory_space<vmem>>, vector<1x16xi32>,
      %get3A_278 = vector.shape_cast %get3A_277 : vector<1x16xi32> to vector<16xi32>
      %shift_right_logical3A_279 = arith.constant 14 : i32
      %shift_right_logical3A_280 = vector.broadcast %shift_right_logical3A_279 : i32 to vector<16xi32>
      %shift_right_logical3A_281 = arith.shrui %get3A_278, %shift_right_logical3A_280 : vector<16xi32>
      %swap3A_282 = arith.constant 48 : index
      %swap3A_283 = tpu.vector_load %arg10[%swap3A_282] {strides = array<i32>} : memref<128xi32, #tpu.memory_space<vmem>>, vector<16xi32>,
      %swap3A_284 = vector.shape_cast %swap3A_283 : vector<16xi32> to vector<16xi32>
      %swap3A_285 = vector.shape_cast %shift_right_logical3A_281 : vector<16xi32> to vector<16xi32>
      tpu.vector_store %arg10[%swap3A_282], %swap3A_285 {strides = array<i32>} : memref<128xi32, #tpu.memory_space<vmem>>, vector<16xi32>,
      %and3A_286 = vector.broadcast %scan3A_210 : i32 to vector<16xi32>
      %and3A_287 = arith.andi %get3A_278, %and3A_286 : vector<16xi32>
      %swap3A_288 = arith.constant 48 : index
      %swap3A_289 = tpu.vector_load %arg12[%swap3A_288] {strides = array<i32>} : memref<128xi32, #tpu.memory_space<vmem>>, vector<16xi32>,
      %swap3A_290 = vector.shape_cast %swap3A_289 : vector<16xi32> to vector<16xi32>
      %swap3A_291 = vector.shape_cast %and3A_287 : vector<16xi32> to vector<16xi32>
      tpu.vector_store %arg12[%swap3A_288], %swap3A_291 {strides = array<i32>} : memref<128xi32, #tpu.memory_space<vmem>>, vector<16xi32>,
      %get3A_292 = arith.index_cast %add3A_223 : i32 to index
      %get3A_293 = arith.constant 64 : index
      %get3A_294 = tpu.vector_load %arg8[%get3A_292, %get3A_293] {strides = array<i32>} : memref<79x128xi32, #tpu.memory_space<vmem>>, vector<1x16xi32>,
      %get3A_295 = vector.shape_cast %get3A_294 : vector<1x16xi32> to vector<16xi32>
      %shift_right_logical3A_296 = arith.constant 14 : i32
      %shift_right_logical3A_297 = vector.broadcast %shift_right_logical3A_296 : i32 to vector<16xi32>
      %shift_right_logical3A_298 = arith.shrui %get3A_295, %shift_right_logical3A_297 : vector<16xi32>
      %swap3A_299 = arith.constant 64 : index
      %swap3A_300 = tpu.vector_load %arg10[%swap3A_299] {strides = array<i32>} : memref<128xi32, #tpu.memory_space<vmem>>, vector<16xi32>,
      %swap3A_301 = vector.shape_cast %swap3A_300 : vector<16xi32> to vector<16xi32>
      %swap3A_302 = vector.shape_cast %shift_right_logical3A_298 : vector<16xi32> to vector<16xi32>
      tpu.vector_store %arg10[%swap3A_299], %swap3A_302 {strides = array<i32>} : memref<128xi32, #tpu.memory_space<vmem>>, vector<16xi32>,
      %and3A_303 = vector.broadcast %scan3A_210 : i32 to vector<16xi32>
      %and3A_304 = arith.andi %get3A_295, %and3A_303 : vector<16xi32>
      %swap3A_305 = arith.constant 64 : index
      %swap3A_306 = tpu.vector_load %arg12[%swap3A_305] {strides = array<i32>} : memref<128xi32, #tpu.memory_space<vmem>>, vector<16xi32>,
      %swap3A_307 = vector.shape_cast %swap3A_306 : vector<16xi32> to vector<16xi32>
      %swap3A_308 = vector.shape_cast %and3A_304 : vector<16xi32> to vector<16xi32>
      tpu.vector_store %arg12[%swap3A_305], %swap3A_308 {strides = array<i32>} : memref<128xi32, #tpu.memory_space<vmem>>, vector<16xi32>,
      %get3A_309 = arith.index_cast %add3A_223 : i32 to index
      %get3A_310 = arith.constant 80 : index
      %get3A_311 = tpu.vector_load %arg8[%get3A_309, %get3A_310] {strides = array<i32>} : memref<79x128xi32, #tpu.memory_space<vmem>>, vector<1x16xi32>,
      %get3A_312 = vector.shape_cast %get3A_311 : vector<1x16xi32> to vector<16xi32>
      %shift_right_logical3A_313 = arith.constant 14 : i32
      %shift_right_logical3A_314 = vector.broadcast %shift_right_logical3A_313 : i32 to vector<16xi32>
      %shift_right_logical3A_315 = arith.shrui %get3A_312, %shift_right_logical3A_314 : vector<16xi32>
      %swap3A_316 = arith.constant 80 : index
      %swap3A_317 = tpu.vector_load %arg10[%swap3A_316] {strides = array<i32>} : memref<128xi32, #tpu.memory_space<vmem>>, vector<16xi32>,
      %swap3A_318 = vector.shape_cast %swap3A_317 : vector<16xi32> to vector<16xi32>
      %swap3A_319 = vector.shape_cast %shift_right_logical3A_315 : vector<16xi32> to vector<16xi32>
      tpu.vector_store %arg10[%swap3A_316], %swap3A_319 {strides = array<i32>} : memref<128xi32, #tpu.memory_space<vmem>>, vector<16xi32>,
      %and3A_320 = vector.broadcast %scan3A_210 : i32 to vector<16xi32>
      %and3A_321 = arith.andi %get3A_312, %and3A_320 : vector<16xi32>
      %swap3A_322 = arith.constant 80 : index
      %swap3A_323 = tpu.vector_load %arg12[%swap3A_322] {strides = array<i32>} : memref<128xi32, #tpu.memory_space<vmem>>, vector<16xi32>,
      %swap3A_324 = vector.shape_cast %swap3A_323 : vector<16xi32> to vector<16xi32>
      %swap3A_325 = vector.shape_cast %and3A_321 : vector<16xi32> to vector<16xi32>
      tpu.vector_store %arg12[%swap3A_322], %swap3A_325 {strides = array<i32>} : memref<128xi32, #tpu.memory_space<vmem>>, vector<16xi32>,
      %get3A_326 = arith.index_cast %add3A_223 : i32 to index
      %get3A_327 = arith.constant 96 : index
      %get3A_328 = tpu.vector_load %arg8[%get3A_326, %get3A_327] {strides = array<i32>} : memref<79x128xi32, #tpu.memory_space<vmem>>, vector<1x16xi32>,
      %get3A_329 = vector.shape_cast %get3A_328 : vector<1x16xi32> to vector<16xi32>
      %shift_right_logical3A_330 = arith.constant 14 : i32
      %shift_right_logical3A_331 = vector.broadcast %shift_right_logical3A_330 : i32 to vector<16xi32>
      %shift_right_logical3A_332 = arith.shrui %get3A_329, %shift_right_logical3A_331 : vector<16xi32>
      %swap3A_333 = arith.constant 96 : index
      %swap3A_334 = tpu.vector_load %arg10[%swap3A_333] {strides = array<i32>} : memref<128xi32, #tpu.memory_space<vmem>>, vector<16xi32>,
      %swap3A_335 = vector.shape_cast %swap3A_334 : vector<16xi32> to vector<16xi32>
      %swap3A_336 = vector.shape_cast %shift_right_logical3A_332 : vector<16xi32> to vector<16xi32>
      tpu.vector_store %arg10[%swap3A_333], %swap3A_336 {strides = array<i32>} : memref<128xi32, #tpu.memory_space<vmem>>, vector<16xi32>,
      %and3A_337 = vector.broadcast %scan3A_210 : i32 to vector<16xi32>
      %and3A_338 = arith.andi %get3A_329, %and3A_337 : vector<16xi32>
      %swap3A_339 = arith.constant 96 : index
      %swap3A_340 = tpu.vector_load %arg12[%swap3A_339] {strides = array<i32>} : memref<128xi32, #tpu.memory_space<vmem>>, vector<16xi32>,
      %swap3A_341 = vector.shape_cast %swap3A_340 : vector<16xi32> to vector<16xi32>
      %swap3A_342 = vector.shape_cast %and3A_338 : vector<16xi32> to vector<16xi32>
      tpu.vector_store %arg12[%swap3A_339], %swap3A_342 {strides = array<i32>} : memref<128xi32, #tpu.memory_space<vmem>>, vector<16xi32>,
      %get3A_343 = arith.index_cast %add3A_223 : i32 to index
      %get3A_344 = arith.constant 112 : index
      %get3A_345 = tpu.vector_load %arg8[%get3A_343, %get3A_344] {strides = array<i32>} : memref<79x128xi32, #tpu.memory_space<vmem>>, vector<1x16xi32>,
      %get3A_346 = vector.shape_cast %get3A_345 : vector<1x16xi32> to vector<16xi32>
      %shift_right_logical3A_347 = arith.constant 14 : i32
      %shift_right_logical3A_348 = vector.broadcast %shift_right_logical3A_347 : i32 to vector<16xi32>
      %shift_right_logical3A_349 = arith.shrui %get3A_346, %shift_right_logical3A_348 : vector<16xi32>
      %swap3A_350 = arith.constant 112 : index
      %swap3A_351 = tpu.vector_load %arg10[%swap3A_350] {strides = array<i32>} : memref<128xi32, #tpu.memory_space<vmem>>, vector<16xi32>,
      %swap3A_352 = vector.shape_cast %swap3A_351 : vector<16xi32> to vector<16xi32>
      %swap3A_353 = vector.shape_cast %shift_right_logical3A_349 : vector<16xi32> to vector<16xi32>
      tpu.vector_store %arg10[%swap3A_350], %swap3A_353 {strides = array<i32>} : memref<128xi32, #tpu.memory_space<vmem>>, vector<16xi32>,
      %and3A_354 = vector.broadcast %scan3A_210 : i32 to vector<16xi32>
      %and3A_355 = arith.andi %get3A_346, %and3A_354 : vector<16xi32>
      %swap3A_356 = arith.constant 112 : index
      %swap3A_357 = tpu.vector_load %arg12[%swap3A_356] {strides = array<i32>} : memref<128xi32, #tpu.memory_space<vmem>>, vector<16xi32>,
      %swap3A_358 = vector.shape_cast %swap3A_357 : vector<16xi32> to vector<16xi32>
      %swap3A_359 = vector.shape_cast %and3A_355 : vector<16xi32> to vector<16xi32>
      tpu.vector_store %arg12[%swap3A_356], %swap3A_359 {strides = array<i32>} : memref<128xi32, #tpu.memory_space<vmem>>, vector<16xi32>,
      %dma_start3A_360 = arith.constant 0 : i32
      %dma_start3A_361 = arith.constant 0 : i32
      %dma_start3A_362 = tpu.memref_slice %arg2[%dma_start3A_360, %dma_start3A_361] : memref<10000x128xf32, #tpu.memory_space<hbm>> -> memref<10000x128xf32, #tpu.memory_space<hbm>>
      tpu.enqueue_indirect_dma source(%dma_start3A_362 : memref<10000x128xf32, #tpu.memory_space<hbm>>) target(%arg14 : memref<128x128xf32, #tpu.memory_space<vmem>>) offsets(%arg10 : memref<128xi32, #tpu.memory_space<vmem>>) semaphore(%arg19 : memref<!tpu.dma_semaphore, #tpu.memory_space<semaphore_mem>>)
      %dma_wait3A_363 = arith.constant 0 : i32
      %dma_wait3A_364 = arith.constant 0 : i32
      %dma_wait3A_365 = tpu.memref_slice %arg2[%dma_wait3A_363, %dma_wait3A_364] : memref<10000x128xf32, #tpu.memory_space<hbm>> -> memref<10000x128xf32, #tpu.memory_space<hbm>>
      tpu.wait_indirect_dma semaphore(%arg18 : memref<!tpu.dma_semaphore, #tpu.memory_space<semaphore_mem>>) src(%dma_wait3A_365 : memref<10000x128xf32, #tpu.memory_space<hbm>>) dst(%arg13 : memref<128x128xf32, #tpu.memory_space<vmem>>)
      "tpu.region"() ({
        %run_scoped3A = tpu.sem_alloc : memref<!tpu.dma_semaphore, #tpu.memory_space<semaphore_mem>>
        %dma_start3A_510 = arith.constant 0 : i32
        %dma_start3A_511 = arith.constant 0 : i32
        %dma_start3A_512 = tpu.memref_slice %arg16[%dma_start3A_510, %dma_start3A_511] : memref<10240x128xf32, #tpu.memory_space<vmem_shared>> -> memref<10240x128xf32, #tpu.memory_space<vmem_shared>>
        tpu.enqueue_indirect_dma source(%arg13 : memref<128x128xf32, #tpu.memory_space<vmem>>) target(%dma_start3A_512 : memref<10240x128xf32, #tpu.memory_space<vmem_shared>>) offsets(%arg11 : memref<128xi32, #tpu.memory_space<vmem>>) semaphore(%run_scoped3A : memref<!tpu.dma_semaphore, #tpu.memory_space<semaphore_mem>>) {add = true}
        %dma_wait3A_513 = arith.constant 0 : i32
        %dma_wait3A_514 = arith.constant 0 : i32
        %dma_wait3A_515 = tpu.memref_slice %arg16[%dma_wait3A_513, %dma_wait3A_514] : memref<10240x128xf32, #tpu.memory_space<vmem_shared>> -> memref<10240x128xf32, #tpu.memory_space<vmem_shared>>
        tpu.wait_indirect_dma semaphore(%run_scoped3A : memref<!tpu.dma_semaphore, #tpu.memory_space<semaphore_mem>>) src(%arg13 : memref<128x128xf32, #tpu.memory_space<vmem>>) dst(%dma_wait3A_515 : memref<10240x128xf32, #tpu.memory_space<vmem_shared>>)
        tpu.yield
      }) : () -> ()
      "tpu.region"() ({
        %run_scoped3A = tpu.sem_alloc : memref<!tpu.dma_semaphore, #tpu.memory_space<semaphore_mem>>
        %dma_start3A_510 = arith.constant 0 : i32
        %dma_start3A_511 = tpu.memref_slice %arg17[%dma_start3A_510] : memref<10240xf32, #tpu.memory_space<vmem_shared>> -> memref<10240xf32, #tpu.memory_space<vmem_shared>>
        tpu.enqueue_indirect_dma source(%arg15 : memref<128xf32, #tpu.memory_space<vmem>>) target(%dma_start3A_511 : memref<10240xf32, #tpu.memory_space<vmem_shared>>) offsets(%arg11 : memref<128xi32, #tpu.memory_space<vmem>>) semaphore(%run_scoped3A : memref<!tpu.dma_semaphore, #tpu.memory_space<semaphore_mem>>) {add = true}
        %dma_wait3A_512 = arith.constant 0 : i32
        %dma_wait3A_513 = tpu.memref_slice %arg17[%dma_wait3A_512] : memref<10240xf32, #tpu.memory_space<vmem_shared>> -> memref<10240xf32, #tpu.memory_space<vmem_shared>>
        tpu.wait_indirect_dma semaphore(%run_scoped3A : memref<!tpu.dma_semaphore, #tpu.memory_space<semaphore_mem>>) src(%arg15 : memref<128xf32, #tpu.memory_space<vmem>>) dst(%dma_wait3A_513 : memref<10240xf32, #tpu.memory_space<vmem_shared>>)
        tpu.yield
      }) : () -> ()
      %add3A_366 = arith.constant 2 : i32
      %add3A_367 = arith.addi %mul3A_221, %add3A_366 : i32
      %get3A_368 = arith.index_cast %add3A_367 : i32 to index
      %get3A_369 = arith.constant 0 : index
      %get3A_370 = tpu.vector_load %arg8[%get3A_368, %get3A_369] {strides = array<i32>} : memref<79x128xi32, #tpu.memory_space<vmem>>, vector<1x16xi32>,
      %get3A_371 = vector.shape_cast %get3A_370 : vector<1x16xi32> to vector<16xi32>
      %shift_right_logical3A_372 = arith.constant 14 : i32
      %shift_right_logical3A_373 = vector.broadcast %shift_right_logical3A_372 : i32 to vector<16xi32>
      %shift_right_logical3A_374 = arith.shrui %get3A_371, %shift_right_logical3A_373 : vector<16xi32>
      %swap3A_375 = arith.constant 0 : index
      %swap3A_376 = tpu.vector_load %arg9[%swap3A_375] {strides = array<i32>} : memref<128xi32, #tpu.memory_space<vmem>>, vector<16xi32>,
      %swap3A_377 = vector.shape_cast %swap3A_376 : vector<16xi32> to vector<16xi32>
      %swap3A_378 = vector.shape_cast %shift_right_logical3A_374 : vector<16xi32> to vector<16xi32>
      tpu.vector_store %arg9[%swap3A_375], %swap3A_378 {strides = array<i32>} : memref<128xi32, #tpu.memory_space<vmem>>, vector<16xi32>,
      %and3A_379 = vector.broadcast %scan3A_210 : i32 to vector<16xi32>
      %and3A_380 = arith.andi %get3A_371, %and3A_379 : vector<16xi32>
      %swap3A_381 = arith.constant 0 : index
      %swap3A_382 = tpu.vector_load %arg11[%swap3A_381] {strides = array<i32>} : memref<128xi32, #tpu.memory_space<vmem>>, vector<16xi32>,
      %swap3A_383 = vector.shape_cast %swap3A_382 : vector<16xi32> to vector<16xi32>
      %swap3A_384 = vector.shape_cast %and3A_380 : vector<16xi32> to vector<16xi32>
      tpu.vector_store %arg11[%swap3A_381], %swap3A_384 {strides = array<i32>} : memref<128xi32, #tpu.memory_space<vmem>>, vector<16xi32>,
      %get3A_385 = arith.index_cast %add3A_367 : i32 to index
      %get3A_386 = arith.constant 16 : index
      %get3A_387 = tpu.vector_load %arg8[%get3A_385, %get3A_386] {strides = array<i32>} : memref<79x128xi32, #tpu.memory_space<vmem>>, vector<1x16xi32>,
      %get3A_388 = vector.shape_cast %get3A_387 : vector<1x16xi32> to vector<16xi32>
      %shift_right_logical3A_389 = arith.constant 14 : i32
      %shift_right_logical3A_390 = vector.broadcast %shift_right_logical3A_389 : i32 to vector<16xi32>
      %shift_right_logical3A_391 = arith.shrui %get3A_388, %shift_right_logical3A_390 : vector<16xi32>
      %swap3A_392 = arith.constant 16 : index
      %swap3A_393 = tpu.vector_load %arg9[%swap3A_392] {strides = array<i32>} : memref<128xi32, #tpu.memory_space<vmem>>, vector<16xi32>,
      %swap3A_394 = vector.shape_cast %swap3A_393 : vector<16xi32> to vector<16xi32>
      %swap3A_395 = vector.shape_cast %shift_right_logical3A_391 : vector<16xi32> to vector<16xi32>
      tpu.vector_store %arg9[%swap3A_392], %swap3A_395 {strides = array<i32>} : memref<128xi32, #tpu.memory_space<vmem>>, vector<16xi32>,
      %and3A_396 = vector.broadcast %scan3A_210 : i32 to vector<16xi32>
      %and3A_397 = arith.andi %get3A_388, %and3A_396 : vector<16xi32>
      %swap3A_398 = arith.constant 16 : index
      %swap3A_399 = tpu.vector_load %arg11[%swap3A_398] {strides = array<i32>} : memref<128xi32, #tpu.memory_space<vmem>>, vector<16xi32>,
      %swap3A_400 = vector.shape_cast %swap3A_399 : vector<16xi32> to vector<16xi32>
      %swap3A_401 = vector.shape_cast %and3A_397 : vector<16xi32> to vector<16xi32>
      tpu.vector_store %arg11[%swap3A_398], %swap3A_401 {strides = array<i32>} : memref<128xi32, #tpu.memory_space<vmem>>, vector<16xi32>,
      %get3A_402 = arith.index_cast %add3A_367 : i32 to index
      %get3A_403 = arith.constant 32 : index
      %get3A_404 = tpu.vector_load %arg8[%get3A_402, %get3A_403] {strides = array<i32>} : memref<79x128xi32, #tpu.memory_space<vmem>>, vector<1x16xi32>,
      %get3A_405 = vector.shape_cast %get3A_404 : vector<1x16xi32> to vector<16xi32>
      %shift_right_logical3A_406 = arith.constant 14 : i32
      %shift_right_logical3A_407 = vector.broadcast %shift_right_logical3A_406 : i32 to vector<16xi32>
      %shift_right_logical3A_408 = arith.shrui %get3A_405, %shift_right_logical3A_407 : vector<16xi32>
      %swap3A_409 = arith.constant 32 : index
      %swap3A_410 = tpu.vector_load %arg9[%swap3A_409] {strides = array<i32>} : memref<128xi32, #tpu.memory_space<vmem>>, vector<16xi32>,
      %swap3A_411 = vector.shape_cast %swap3A_410 : vector<16xi32> to vector<16xi32>
      %swap3A_412 = vector.shape_cast %shift_right_logical3A_408 : vector<16xi32> to vector<16xi32>
      tpu.vector_store %arg9[%swap3A_409], %swap3A_412 {strides = array<i32>} : memref<128xi32, #tpu.memory_space<vmem>>, vector<16xi32>,
      %and3A_413 = vector.broadcast %scan3A_210 : i32 to vector<16xi32>
      %and3A_414 = arith.andi %get3A_405, %and3A_413 : vector<16xi32>
      %swap3A_415 = arith.constant 32 : index
      %swap3A_416 = tpu.vector_load %arg11[%swap3A_415] {strides = array<i32>} : memref<128xi32, #tpu.memory_space<vmem>>, vector<16xi32>,
      %swap3A_417 = vector.shape_cast %swap3A_416 : vector<16xi32> to vector<16xi32>
      %swap3A_418 = vector.shape_cast %and3A_414 : vector<16xi32> to vector<16xi32>
      tpu.vector_store %arg11[%swap3A_415], %swap3A_418 {strides = array<i32>} : memref<128xi32, #tpu.memory_space<vmem>>, vector<16xi32>,
      %get3A_419 = arith.index_cast %add3A_367 : i32 to index
      %get3A_420 = arith.constant 48 : index
      %get3A_421 = tpu.vector_load %arg8[%get3A_419, %get3A_420] {strides = array<i32>} : memref<79x128xi32, #tpu.memory_space<vmem>>, vector<1x16xi32>,
      %get3A_422 = vector.shape_cast %get3A_421 : vector<1x16xi32> to vector<16xi32>
      %shift_right_logical3A_423 = arith.constant 14 : i32
      %shift_right_logical3A_424 = vector.broadcast %shift_right_logical3A_423 : i32 to vector<16xi32>
      %shift_right_logical3A_425 = arith.shrui %get3A_422, %shift_right_logical3A_424 : vector<16xi32>
      %swap3A_426 = arith.constant 48 : index
      %swap3A_427 = tpu.vector_load %arg9[%swap3A_426] {strides = array<i32>} : memref<128xi32, #tpu.memory_space<vmem>>, vector<16xi32>,
      %swap3A_428 = vector.shape_cast %swap3A_427 : vector<16xi32> to vector<16xi32>
      %swap3A_429 = vector.shape_cast %shift_right_logical3A_425 : vector<16xi32> to vector<16xi32>
      tpu.vector_store %arg9[%swap3A_426], %swap3A_429 {strides = array<i32>} : memref<128xi32, #tpu.memory_space<vmem>>, vector<16xi32>,
      %and3A_430 = vector.broadcast %scan3A_210 : i32 to vector<16xi32>
      %and3A_431 = arith.andi %get3A_422, %and3A_430 : vector<16xi32>
      %swap3A_432 = arith.constant 48 : index
      %swap3A_433 = tpu.vector_load %arg11[%swap3A_432] {strides = array<i32>} : memref<128xi32, #tpu.memory_space<vmem>>, vector<16xi32>,
      %swap3A_434 = vector.shape_cast %swap3A_433 : vector<16xi32> to vector<16xi32>
      %swap3A_435 = vector.shape_cast %and3A_431 : vector<16xi32> to vector<16xi32>
      tpu.vector_store %arg11[%swap3A_432], %swap3A_435 {strides = array<i32>} : memref<128xi32, #tpu.memory_space<vmem>>, vector<16xi32>,
      %get3A_436 = arith.index_cast %add3A_367 : i32 to index
      %get3A_437 = arith.constant 64 : index
      %get3A_438 = tpu.vector_load %arg8[%get3A_436, %get3A_437] {strides = array<i32>} : memref<79x128xi32, #tpu.memory_space<vmem>>, vector<1x16xi32>,
      %get3A_439 = vector.shape_cast %get3A_438 : vector<1x16xi32> to vector<16xi32>
      %shift_right_logical3A_440 = arith.constant 14 : i32
      %shift_right_logical3A_441 = vector.broadcast %shift_right_logical3A_440 : i32 to vector<16xi32>
      %shift_right_logical3A_442 = arith.shrui %get3A_439, %shift_right_logical3A_441 : vector<16xi32>
      %swap3A_443 = arith.constant 64 : index
      %swap3A_444 = tpu.vector_load %arg9[%swap3A_443] {strides = array<i32>} : memref<128xi32, #tpu.memory_space<vmem>>, vector<16xi32>,
      %swap3A_445 = vector.shape_cast %swap3A_444 : vector<16xi32> to vector<16xi32>
      %swap3A_446 = vector.shape_cast %shift_right_logical3A_442 : vector<16xi32> to vector<16xi32>
      tpu.vector_store %arg9[%swap3A_443], %swap3A_446 {strides = array<i32>} : memref<128xi32, #tpu.memory_space<vmem>>, vector<16xi32>,
      %and3A_447 = vector.broadcast %scan3A_210 : i32 to vector<16xi32>
      %and3A_448 = arith.andi %get3A_439, %and3A_447 : vector<16xi32>
      %swap3A_449 = arith.constant 64 : index
      %swap3A_450 = tpu.vector_load %arg11[%swap3A_449] {strides = array<i32>} : memref<128xi32, #tpu.memory_space<vmem>>, vector<16xi32>,
      %swap3A_451 = vector.shape_cast %swap3A_450 : vector<16xi32> to vector<16xi32>
      %swap3A_452 = vector.shape_cast %and3A_448 : vector<16xi32> to vector<16xi32>
      tpu.vector_store %arg11[%swap3A_449], %swap3A_452 {strides = array<i32>} : memref<128xi32, #tpu.memory_space<vmem>>, vector<16xi32>,
      %get3A_453 = arith.index_cast %add3A_367 : i32 to index
      %get3A_454 = arith.constant 80 : index
      %get3A_455 = tpu.vector_load %arg8[%get3A_453, %get3A_454] {strides = array<i32>} : memref<79x128xi32, #tpu.memory_space<vmem>>, vector<1x16xi32>,
      %get3A_456 = vector.shape_cast %get3A_455 : vector<1x16xi32> to vector<16xi32>
      %shift_right_logical3A_457 = arith.constant 14 : i32
      %shift_right_logical3A_458 = vector.broadcast %shift_right_logical3A_457 : i32 to vector<16xi32>
      %shift_right_logical3A_459 = arith.shrui %get3A_456, %shift_right_logical3A_458 : vector<16xi32>
      %swap3A_460 = arith.constant 80 : index
      %swap3A_461 = tpu.vector_load %arg9[%swap3A_460] {strides = array<i32>} : memref<128xi32, #tpu.memory_space<vmem>>, vector<16xi32>,
      %swap3A_462 = vector.shape_cast %swap3A_461 : vector<16xi32> to vector<16xi32>
      %swap3A_463 = vector.shape_cast %shift_right_logical3A_459 : vector<16xi32> to vector<16xi32>
      tpu.vector_store %arg9[%swap3A_460], %swap3A_463 {strides = array<i32>} : memref<128xi32, #tpu.memory_space<vmem>>, vector<16xi32>,
      %and3A_464 = vector.broadcast %scan3A_210 : i32 to vector<16xi32>
      %and3A_465 = arith.andi %get3A_456, %and3A_464 : vector<16xi32>
      %swap3A_466 = arith.constant 80 : index
      %swap3A_467 = tpu.vector_load %arg11[%swap3A_466] {strides = array<i32>} : memref<128xi32, #tpu.memory_space<vmem>>, vector<16xi32>,
      %swap3A_468 = vector.shape_cast %swap3A_467 : vector<16xi32> to vector<16xi32>
      %swap3A_469 = vector.shape_cast %and3A_465 : vector<16xi32> to vector<16xi32>
      tpu.vector_store %arg11[%swap3A_466], %swap3A_469 {strides = array<i32>} : memref<128xi32, #tpu.memory_space<vmem>>, vector<16xi32>,
      %get3A_470 = arith.index_cast %add3A_367 : i32 to index
      %get3A_471 = arith.constant 96 : index
      %get3A_472 = tpu.vector_load %arg8[%get3A_470, %get3A_471] {strides = array<i32>} : memref<79x128xi32, #tpu.memory_space<vmem>>, vector<1x16xi32>,
      %get3A_473 = vector.shape_cast %get3A_472 : vector<1x16xi32> to vector<16xi32>
      %shift_right_logical3A_474 = arith.constant 14 : i32
      %shift_right_logical3A_475 = vector.broadcast %shift_right_logical3A_474 : i32 to vector<16xi32>
      %shift_right_logical3A_476 = arith.shrui %get3A_473, %shift_right_logical3A_475 : vector<16xi32>
      %swap3A_477 = arith.constant 96 : index
      %swap3A_478 = tpu.vector_load %arg9[%swap3A_477] {strides = array<i32>} : memref<128xi32, #tpu.memory_space<vmem>>, vector<16xi32>,
      %swap3A_479 = vector.shape_cast %swap3A_478 : vector<16xi32> to vector<16xi32>
      %swap3A_480 = vector.shape_cast %shift_right_logical3A_476 : vector<16xi32> to vector<16xi32>
      tpu.vector_store %arg9[%swap3A_477], %swap3A_480 {strides = array<i32>} : memref<128xi32, #tpu.memory_space<vmem>>, vector<16xi32>,
      %and3A_481 = vector.broadcast %scan3A_210 : i32 to vector<16xi32>
      %and3A_482 = arith.andi %get3A_473, %and3A_481 : vector<16xi32>
      %swap3A_483 = arith.constant 96 : index
      %swap3A_484 = tpu.vector_load %arg11[%swap3A_483] {strides = array<i32>} : memref<128xi32, #tpu.memory_space<vmem>>, vector<16xi32>,
      %swap3A_485 = vector.shape_cast %swap3A_484 : vector<16xi32> to vector<16xi32>
      %swap3A_486 = vector.shape_cast %and3A_482 : vector<16xi32> to vector<16xi32>
      tpu.vector_store %arg11[%swap3A_483], %swap3A_486 {strides = array<i32>} : memref<128xi32, #tpu.memory_space<vmem>>, vector<16xi32>,
      %get3A_487 = arith.index_cast %add3A_367 : i32 to index
      %get3A_488 = arith.constant 112 : index
      %get3A_489 = tpu.vector_load %arg8[%get3A_487, %get3A_488] {strides = array<i32>} : memref<79x128xi32, #tpu.memory_space<vmem>>, vector<1x16xi32>,
      %get3A_490 = vector.shape_cast %get3A_489 : vector<1x16xi32> to vector<16xi32>
      %shift_right_logical3A_491 = arith.constant 14 : i32
      %shift_right_logical3A_492 = vector.broadcast %shift_right_logical3A_491 : i32 to vector<16xi32>
      %shift_right_logical3A_493 = arith.shrui %get3A_490, %shift_right_logical3A_492 : vector<16xi32>
      %swap3A_494 = arith.constant 112 : index
      %swap3A_495 = tpu.vector_load %arg9[%swap3A_494] {strides = array<i32>} : memref<128xi32, #tpu.memory_space<vmem>>, vector<16xi32>,
      %swap3A_496 = vector.shape_cast %swap3A_495 : vector<16xi32> to vector<16xi32>
      %swap3A_497 = vector.shape_cast %shift_right_logical3A_493 : vector<16xi32> to vector<16xi32>
      tpu.vector_store %arg9[%swap3A_494], %swap3A_497 {strides = array<i32>} : memref<128xi32, #tpu.memory_space<vmem>>, vector<16xi32>,
      %and3A_498 = vector.broadcast %scan3A_210 : i32 to vector<16xi32>
      %and3A_499 = arith.andi %get3A_490, %and3A_498 : vector<16xi32>
      %swap3A_500 = arith.constant 112 : index
      %swap3A_501 = tpu.vector_load %arg11[%swap3A_500] {strides = array<i32>} : memref<128xi32, #tpu.memory_space<vmem>>, vector<16xi32>,
      %swap3A_502 = vector.shape_cast %swap3A_501 : vector<16xi32> to vector<16xi32>
      %swap3A_503 = vector.shape_cast %and3A_499 : vector<16xi32> to vector<16xi32>
      tpu.vector_store %arg11[%swap3A_500], %swap3A_503 {strides = array<i32>} : memref<128xi32, #tpu.memory_space<vmem>>, vector<16xi32>,
      %dma_start3A_504 = arith.constant 0 : i32
      %dma_start3A_505 = arith.constant 0 : i32
      %dma_start3A_506 = tpu.memref_slice %arg2[%dma_start3A_504, %dma_start3A_505] : memref<10000x128xf32, #tpu.memory_space<hbm>> -> memref<10000x128xf32, #tpu.memory_space<hbm>>
      tpu.enqueue_indirect_dma source(%dma_start3A_506 : memref<10000x128xf32, #tpu.memory_space<hbm>>) target(%arg13 : memref<128x128xf32, #tpu.memory_space<vmem>>) offsets(%arg9 : memref<128xi32, #tpu.memory_space<vmem>>) semaphore(%arg18 : memref<!tpu.dma_semaphore, #tpu.memory_space<semaphore_mem>>)
      %dma_wait3A_507 = arith.constant 0 : i32
      %dma_wait3A_508 = arith.constant 0 : i32
      %dma_wait3A_509 = tpu.memref_slice %arg2[%dma_wait3A_507, %dma_wait3A_508] : memref<10000x128xf32, #tpu.memory_space<hbm>> -> memref<10000x128xf32, #tpu.memory_space<hbm>>
      tpu.wait_indirect_dma semaphore(%arg19 : memref<!tpu.dma_semaphore, #tpu.memory_space<semaphore_mem>>) src(%dma_wait3A_509 : memref<10000x128xf32, #tpu.memory_space<hbm>>) dst(%arg14 : memref<128x128xf32, #tpu.memory_space<vmem>>)
      "tpu.region"() ({
        %run_scoped3A = tpu.sem_alloc : memref<!tpu.dma_semaphore, #tpu.memory_space<semaphore_mem>>
        %dma_start3A_510 = arith.constant 0 : i32
        %dma_start3A_511 = arith.constant 0 : i32
        %dma_start3A_512 = tpu.memref_slice %arg16[%dma_start3A_510, %dma_start3A_511] : memref<10240x128xf32, #tpu.memory_space<vmem_shared>> -> memref<10240x128xf32, #tpu.memory_space<vmem_shared>>
        tpu.enqueue_indirect_dma source(%arg14 : memref<128x128xf32, #tpu.memory_space<vmem>>) target(%dma_start3A_512 : memref<10240x128xf32, #tpu.memory_space<vmem_shared>>) offsets(%arg12 : memref<128xi32, #tpu.memory_space<vmem>>) semaphore(%run_scoped3A : memref<!tpu.dma_semaphore, #tpu.memory_space<semaphore_mem>>) {add = true}
        %dma_wait3A_513 = arith.constant 0 : i32
        %dma_wait3A_514 = arith.constant 0 : i32
        %dma_wait3A_515 = tpu.memref_slice %arg16[%dma_wait3A_513, %dma_wait3A_514] : memref<10240x128xf32, #tpu.memory_space<vmem_shared>> -> memref<10240x128xf32, #tpu.memory_space<vmem_shared>>
        tpu.wait_indirect_dma semaphore(%run_scoped3A : memref<!tpu.dma_semaphore, #tpu.memory_space<semaphore_mem>>) src(%arg14 : memref<128x128xf32, #tpu.memory_space<vmem>>) dst(%dma_wait3A_515 : memref<10240x128xf32, #tpu.memory_space<vmem_shared>>)
        tpu.yield
      }) : () -> ()
      "tpu.region"() ({
        %run_scoped3A = tpu.sem_alloc : memref<!tpu.dma_semaphore, #tpu.memory_space<semaphore_mem>>
        %dma_start3A_510 = arith.constant 0 : i32
        %dma_start3A_511 = tpu.memref_slice %arg17[%dma_start3A_510] : memref<10240xf32, #tpu.memory_space<vmem_shared>> -> memref<10240xf32, #tpu.memory_space<vmem_shared>>
        tpu.enqueue_indirect_dma source(%arg15 : memref<128xf32, #tpu.memory_space<vmem>>) target(%dma_start3A_511 : memref<10240xf32, #tpu.memory_space<vmem_shared>>) offsets(%arg12 : memref<128xi32, #tpu.memory_space<vmem>>) semaphore(%run_scoped3A : memref<!tpu.dma_semaphore, #tpu.memory_space<semaphore_mem>>) {add = true}
        %dma_wait3A_512 = arith.constant 0 : i32
        %dma_wait3A_513 = tpu.memref_slice %arg17[%dma_wait3A_512] : memref<10240xf32, #tpu.memory_space<vmem_shared>> -> memref<10240xf32, #tpu.memory_space<vmem_shared>>
        tpu.wait_indirect_dma semaphore(%run_scoped3A : memref<!tpu.dma_semaphore, #tpu.memory_space<semaphore_mem>>) src(%arg15 : memref<128xf32, #tpu.memory_space<vmem>>) dst(%dma_wait3A_513 : memref<10240xf32, #tpu.memory_space<vmem_shared>>)
        tpu.yield
      }) : () -> ()
    }
    %scan3A_215 = arith.constant 39 : i32
    %dma_wait3A = arith.constant 0 : i32
    %dma_wait3A_216 = arith.constant 0 : i32
    %dma_wait3A_217 = tpu.memref_slice %arg2[%dma_wait3A, %dma_wait3A_216] : memref<10000x128xf32, #tpu.memory_space<hbm>> -> memref<10000x128xf32, #tpu.memory_space<hbm>>
    tpu.wait_indirect_dma semaphore(%arg18 : memref<!tpu.dma_semaphore, #tpu.memory_space<semaphore_mem>>) src(%dma_wait3A_217 : memref<10000x128xf32, #tpu.memory_space<hbm>>) dst(%arg13 : memref<128x128xf32, #tpu.memory_space<vmem>>)
    "tpu.region"() ({
      %run_scoped3A = tpu.sem_alloc : memref<!tpu.dma_semaphore, #tpu.memory_space<semaphore_mem>>
      %dma_start3A_219 = arith.constant 0 : i32
      %dma_start3A_220 = arith.constant 0 : i32
      %dma_start3A_221 = tpu.memref_slice %arg16[%dma_start3A_219, %dma_start3A_220] : memref<10240x128xf32, #tpu.memory_space<vmem_shared>> -> memref<10240x128xf32, #tpu.memory_space<vmem_shared>>
      tpu.enqueue_indirect_dma source(%arg13 : memref<128x128xf32, #tpu.memory_space<vmem>>) target(%dma_start3A_221 : memref<10240x128xf32, #tpu.memory_space<vmem_shared>>) offsets(%arg11 : memref<128xi32, #tpu.memory_space<vmem>>) semaphore(%run_scoped3A : memref<!tpu.dma_semaphore, #tpu.memory_space<semaphore_mem>>) {add = true}
      %dma_wait3A_222 = arith.constant 0 : i32
      %dma_wait3A_223 = arith.constant 0 : i32
      %dma_wait3A_224 = tpu.memref_slice %arg16[%dma_wait3A_222, %dma_wait3A_223] : memref<10240x128xf32, #tpu.memory_space<vmem_shared>> -> memref<10240x128xf32, #tpu.memory_space<vmem_shared>>
      tpu.wait_indirect_dma semaphore(%run_scoped3A : memref<!tpu.dma_semaphore, #tpu.memory_space<semaphore_mem>>) src(%arg13 : memref<128x128xf32, #tpu.memory_space<vmem>>) dst(%dma_wait3A_224 : memref<10240x128xf32, #tpu.memory_space<vmem_shared>>)
      tpu.yield
    }) : () -> ()
    "tpu.region"() ({
      %run_scoped3A = tpu.sem_alloc : memref<!tpu.dma_semaphore, #tpu.memory_space<semaphore_mem>>
      %dma_start3A_219 = arith.constant 0 : i32
      %dma_start3A_220 = tpu.memref_slice %arg17[%dma_start3A_219] : memref<10240xf32, #tpu.memory_space<vmem_shared>> -> memref<10240xf32, #tpu.memory_space<vmem_shared>>
      tpu.enqueue_indirect_dma source(%arg15 : memref<128xf32, #tpu.memory_space<vmem>>) target(%dma_start3A_220 : memref<10240xf32, #tpu.memory_space<vmem_shared>>) offsets(%arg11 : memref<128xi32, #tpu.memory_space<vmem>>) semaphore(%run_scoped3A : memref<!tpu.dma_semaphore, #tpu.memory_space<semaphore_mem>>) {add = true}
      %dma_wait3A_221 = arith.constant 0 : i32
      %dma_wait3A_222 = tpu.memref_slice %arg17[%dma_wait3A_221] : memref<10240xf32, #tpu.memory_space<vmem_shared>> -> memref<10240xf32, #tpu.memory_space<vmem_shared>>
      tpu.wait_indirect_dma semaphore(%run_scoped3A : memref<!tpu.dma_semaphore, #tpu.memory_space<semaphore_mem>>) src(%arg15 : memref<128xf32, #tpu.memory_space<vmem>>) dst(%dma_wait3A_222 : memref<10240xf32, #tpu.memory_space<vmem_shared>>)
      tpu.yield
    }) : () -> ()
    %barrier3A_218 = arith.constant 0 : index
    tpu.barrier barrier_id(%barrier3A_218)
    "tpu.region"() ({
      %run_scoped3A = tpu.sem_alloc : memref<!tpu.dma_semaphore, #tpu.memory_space<semaphore_mem>>
      %dma_start3A_219 = arith.constant 0 : i32
      %dma_start3A_220 = tpu.memref_slice %arg6[%arg0, %mul3A_2, %dma_start3A_219] : memref<2x10240x128xf32, #tpu.memory_space<hbm>> -> memref<1x640x128xf32, #tpu.memory_space<hbm>>
      %dma_start3A_221 = tpu.memref_squeeze %dma_start3A_220 : memref<1x640x128xf32, #tpu.memory_space<hbm>> -> memref<640x128xf32, #tpu.memory_space<hbm>>
      %dma_start3A_222 = arith.constant 0 : i32
      %dma_start3A_223 = tpu.memref_slice %arg16[%mul3A_2, %dma_start3A_222] : memref<10240x128xf32, #tpu.memory_space<vmem_shared>> -> memref<640x128xf32, #tpu.memory_space<vmem_shared>>
      tpu.enqueue_dma source(%dma_start3A_223 : memref<640x128xf32, #tpu.memory_space<vmem_shared>>) target(%dma_start3A_221 : memref<640x128xf32, #tpu.memory_space<hbm>>) target_semaphore(%run_scoped3A : memref<!tpu.dma_semaphore, #tpu.memory_space<semaphore_mem>>)
      %dma_wait3A_224 = arith.constant 0 : i32
      %dma_wait3A_225 = tpu.memref_slice %arg6[%arg0, %mul3A_2, %dma_wait3A_224] : memref<2x10240x128xf32, #tpu.memory_space<hbm>> -> memref<1x640x128xf32, #tpu.memory_space<hbm>>
      %dma_wait3A_226 = tpu.memref_squeeze %dma_wait3A_225 : memref<1x640x128xf32, #tpu.memory_space<hbm>> -> memref<640x128xf32, #tpu.memory_space<hbm>>
      %dma_wait3A_227 = arith.constant 0 : i32
      %dma_wait3A_228 = tpu.memref_slice %arg16[%mul3A_2, %dma_wait3A_227] : memref<10240x128xf32, #tpu.memory_space<vmem_shared>> -> memref<640x128xf32, #tpu.memory_space<vmem_shared>>
      tpu.wait_dma2 semaphore(%run_scoped3A : memref<!tpu.dma_semaphore, #tpu.memory_space<semaphore_mem>>) src(%dma_wait3A_228 : memref<640x128xf32, #tpu.memory_space<vmem_shared>>) dst(%dma_wait3A_226 : memref<640x128xf32, #tpu.memory_space<hbm>>)
      tpu.yield
    }) : () -> ()
    "tpu.region"() ({
      %run_scoped3A = tpu.sem_alloc : memref<!tpu.dma_semaphore, #tpu.memory_space<semaphore_mem>>
      %dma_start3A_219 = tpu.memref_slice %arg7[%arg0, %mul3A_2] : memref<2x10240xf32, #tpu.memory_space<hbm>> -> memref<1x640xf32, #tpu.memory_space<hbm>>
      %dma_start3A_220 = tpu.memref_squeeze %dma_start3A_219 : memref<1x640xf32, #tpu.memory_space<hbm>> -> memref<640xf32, #tpu.memory_space<hbm>>
      %dma_start3A_221 = tpu.memref_slice %arg17[%mul3A_2] : memref<10240xf32, #tpu.memory_space<vmem_shared>> -> memref<640xf32, #tpu.memory_space<vmem_shared>>
      tpu.enqueue_dma source(%dma_start3A_221 : memref<640xf32, #tpu.memory_space<vmem_shared>>) target(%dma_start3A_220 : memref<640xf32, #tpu.memory_space<hbm>>) target_semaphore(%run_scoped3A : memref<!tpu.dma_semaphore, #tpu.memory_space<semaphore_mem>>)
      %dma_wait3A_222 = tpu.memref_slice %arg7[%arg0, %mul3A_2] : memref<2x10240xf32, #tpu.memory_space<hbm>> -> memref<1x640xf32, #tpu.memory_space<hbm>>
      %dma_wait3A_223 = tpu.memref_squeeze %dma_wait3A_222 : memref<1x640xf32, #tpu.memory_space<hbm>> -> memref<640xf32, #tpu.memory_space<hbm>>
      %dma_wait3A_224 = tpu.memref_slice %arg17[%mul3A_2] : memref<10240xf32, #tpu.memory_space<vmem_shared>> -> memref<640xf32, #tpu.memory_space<vmem_shared>>
      tpu.wait_dma2 semaphore(%run_scoped3A : memref<!tpu.dma_semaphore, #tpu.memory_space<semaphore_mem>>) src(%dma_wait3A_224 : memref<640xf32, #tpu.memory_space<vmem_shared>>) dst(%dma_wait3A_223 : memref<640xf32, #tpu.memory_space<hbm>>)
      tpu.yield
    }) : () -> ()
    return
  }
}

module attributes {stable_mosaic.version = 14 : i64} {
  func.func @body(%arg0: i32, %arg1: memref<2000x128xf32, #tpu.memory_space<vmem>>, %arg2: memref<1x2000x128xf32, #tpu.memory_space<vmem>>, %arg3: memref<1x2000x128xf32, #tpu.memory_space<vmem>>, %arg4: memref<1x2000x1xf32, #tpu.memory_space<vmem>>, %arg5: memref<1x2000x1xf32, #tpu.memory_space<vmem>>, %arg6: memref<128x128xf32, #tpu.memory_space<vmem>>, %arg7: memref<1x128xf32, #tpu.memory_space<vmem>>, %arg8: memref<128x128xf32, #tpu.memory_space<vmem>>, %arg9: memref<1x128xf32, #tpu.memory_space<vmem>>, %arg10: memref<2000x128xf32, #tpu.memory_space<vmem>>) attributes {dimension_semantics = [#tpu.dimension_semantics<arbitrary>], iteration_bounds = array<i64: 5>, scalar_prefetch = 0 : i64, scratch_operands = 0 : i64, tpu.core_type = #tpu.core_type<tc>, window_params = [{transform_indices = @transform_0, window_bounds = array<i64: 2000, 128>}, {transform_indices = @transform_1, window_bounds = array<i64: 1, 2000, 128>}, {transform_indices = @transform_2, window_bounds = array<i64: 1, 2000, 128>}, {transform_indices = @transform_3, window_bounds = array<i64: 1, 2000, 1>}, {transform_indices = @transform_4, window_bounds = array<i64: 1, 2000, 1>}, {pipeline_mode = #tpu.pipeline_mode<synchronous>, transform_indices = @transform_5, window_bounds = array<i64: 128, 128>}, {pipeline_mode = #tpu.pipeline_mode<synchronous>, transform_indices = @transform_6, window_bounds = array<i64: 1, 128>}, {pipeline_mode = #tpu.pipeline_mode<synchronous>, transform_indices = @transform_7, window_bounds = array<i64: 128, 128>}, {pipeline_mode = #tpu.pipeline_mode<synchronous>, transform_indices = @transform_8, window_bounds = array<i64: 1, 128>}, {transform_indices = @transform_9, window_bounds = array<i64: 2000, 128>}]} {
    %get3A = arith.constant 0 : index
    %get3A_0 = arith.constant 0 : index
    %get3A_1 = arith.constant 0 : index
    %get3A_2 = vector.load %arg2[%get3A, %get3A_0, %get3A_1] : memref<1x2000x128xf32, #tpu.memory_space<vmem>>, vector<1x2000x128xf32>
    %get3A_3 = vector.shape_cast %get3A_2 : vector<1x2000x128xf32> to vector<2000x128xf32>
    %get3A_4 = arith.constant 0 : index
    %get3A_5 = arith.constant 0 : index
    %get3A_6 = arith.constant 0 : index
    %get3A_7 = vector.load %arg3[%get3A_4, %get3A_5, %get3A_6] : memref<1x2000x128xf32, #tpu.memory_space<vmem>>, vector<1x2000x128xf32>
    %get3A_8 = vector.shape_cast %get3A_7 : vector<1x2000x128xf32> to vector<2000x128xf32>
    %add3A = arith.addf %get3A_3, %get3A_8 : vector<2000x128xf32>
    %get3A_9 = arith.constant 0 : index
    %get3A_10 = arith.constant 0 : index
    %get3A_11 = arith.constant 0 : index
    %get3A_12 = vector.load %arg4[%get3A_9, %get3A_10, %get3A_11] : memref<1x2000x1xf32, #tpu.memory_space<vmem>>, vector<1x2000x1xf32>
    %get3A_13 = vector.shape_cast %get3A_12 : vector<1x2000x1xf32> to vector<2000x1xf32>
    %get3A_14 = arith.constant 0 : index
    %get3A_15 = arith.constant 0 : index
    %get3A_16 = arith.constant 0 : index
    %get3A_17 = vector.load %arg5[%get3A_14, %get3A_15, %get3A_16] : memref<1x2000x1xf32, #tpu.memory_space<vmem>>, vector<1x2000x1xf32>
    %get3A_18 = vector.shape_cast %get3A_17 : vector<1x2000x1xf32> to vector<2000x1xf32>
    %add3A_19 = arith.addf %get3A_13, %get3A_18 : vector<2000x1xf32>
    %max3A = arith.constant 1.000000e+00 : f32
    %max3A_20 = vector.broadcast %max3A : f32 to vector<2000x1xf32>
    %max3A_21 = arith.maximumf %add3A_19, %max3A_20 : vector<2000x1xf32>
    %div3A = vector.broadcast %max3A_21 : vector<2000x1xf32> to vector<2000x128xf32>
    %div3A_22 = arith.divf %add3A, %div3A : vector<2000x128xf32>
    %get3A_23 = arith.constant 0 : index
    %get3A_24 = arith.constant 0 : index
    %get3A_25 = vector.load %arg6[%get3A_23, %get3A_24] : memref<128x128xf32, #tpu.memory_space<vmem>>, vector<128x128xf32>
    %dot_general3A = arith.constant dense<0.000000e+00> : vector<2000x128xf32>
    %dot_general3A_26 = tpu.matmul %div3A_22, %get3A_25, %dot_general3A {dimension_numbers = #tpu.dot_dimension_numbers<[1], [0], [0], [1], [0, 0, 1, 1], [], []>, transpose_lhs_hint = false} : vector<2000x128xf32>, vector<128x128xf32>, vector<2000x128xf32> -> vector<2000x128xf32>
    %get3A_27 = arith.constant 0 : index
    %get3A_28 = arith.constant 0 : index
    %get3A_29 = vector.load %arg1[%get3A_27, %get3A_28] : memref<2000x128xf32, #tpu.memory_space<vmem>>, vector<2000x128xf32>
    %get3A_30 = arith.constant 0 : index
    %get3A_31 = arith.constant 0 : index
    %get3A_32 = vector.load %arg8[%get3A_30, %get3A_31] : memref<128x128xf32, #tpu.memory_space<vmem>>, vector<128x128xf32>
    %dot_general3A_33 = arith.constant dense<0.000000e+00> : vector<2000x128xf32>
    %dot_general3A_34 = tpu.matmul %get3A_29, %get3A_32, %dot_general3A_33 {dimension_numbers = #tpu.dot_dimension_numbers<[1], [0], [0], [1], [0, 0, 1, 1], [], []>, transpose_lhs_hint = false} : vector<2000x128xf32>, vector<128x128xf32>, vector<2000x128xf32> -> vector<2000x128xf32>
    %add3A_35 = arith.addf %dot_general3A_26, %dot_general3A_34 : vector<2000x128xf32>
    %get3A_36 = arith.constant 0 : index
    %get3A_37 = arith.constant 0 : index
    %get3A_38 = vector.load %arg7[%get3A_36, %get3A_37] : memref<1x128xf32, #tpu.memory_space<vmem>>, vector<1x128xf32>
    %add3A_39 = vector.broadcast %get3A_38 : vector<1x128xf32> to vector<2000x128xf32>
    %add3A_40 = arith.addf %add3A_35, %add3A_39 : vector<2000x128xf32>
    %get3A_41 = arith.constant 0 : index
    %get3A_42 = arith.constant 0 : index
    %get3A_43 = vector.load %arg9[%get3A_41, %get3A_42] : memref<1x128xf32, #tpu.memory_space<vmem>>, vector<1x128xf32>
    %add3A_44 = vector.broadcast %get3A_43 : vector<1x128xf32> to vector<2000x128xf32>
    %add3A_45 = arith.addf %add3A_40, %add3A_44 : vector<2000x128xf32>
    %mul3A = arith.mulf %add3A_45, %add3A_45 : vector<2000x128xf32>
    %reduce_sum3A = arith.constant dense<0.000000e+00> : vector<2000xf32>
    %reduce_sum3A_46 = vector.multi_reduction <add>, %mul3A, %reduce_sum3A [1] : vector<2000x128xf32> to vector<2000xf32>
    %broadcast_in_dim3A = vector.shape_cast %reduce_sum3A_46 : vector<2000xf32> to vector<2000x1xf32>
    %sqrt3A = math.sqrt %broadcast_in_dim3A : vector<2000x1xf32>
    %max3A_47 = arith.constant 9.99999996E-13 : f32
    %max3A_48 = vector.broadcast %max3A_47 : f32 to vector<2000x1xf32>
    %max3A_49 = arith.maximumf %sqrt3A, %max3A_48 : vector<2000x1xf32>
    %div3A_50 = vector.broadcast %max3A_49 : vector<2000x1xf32> to vector<2000x128xf32>
    %div3A_51 = arith.divf %add3A_45, %div3A_50 : vector<2000x128xf32>
    %max3A_52 = arith.constant 0.000000e+00 : f32
    %max3A_53 = vector.broadcast %max3A_52 : f32 to vector<2000x128xf32>
    %max3A_54 = arith.maximumf %div3A_51, %max3A_53 : vector<2000x128xf32>
    %swap3A = arith.constant 0 : index
    %swap3A_55 = arith.constant 0 : index
    %swap3A_56 = vector.load %arg10[%swap3A, %swap3A_55] : memref<2000x128xf32, #tpu.memory_space<vmem>>, vector<2000x128xf32>
    tpu.vector_store %arg10[%swap3A, %swap3A_55], %max3A_54 {strides = array<i32>} : memref<2000x128xf32, #tpu.memory_space<vmem>>, vector<2000x128xf32>,
    return
  }
  func.func @transform_0(%arg0: i32) -> (i32, i32) {
    %c0_i32 = arith.constant 0 : i32
    %c0_i32_0 = arith.constant 0 : i32
    return %arg0, %c0_i32 : i32, i32
  }
  func.func @transform_1(%arg0: i32) -> (i32, i32, i32) {
    %c0_i32 = arith.constant 0 : i32
    %c0_i32_0 = arith.constant 0 : i32
    %c0_i32_1 = arith.constant 0 : i32
    return %c0_i32, %arg0, %c0_i32_0 : i32, i32, i32
  }
  func.func @transform_2(%arg0: i32) -> (i32, i32, i32) {
    %c1_i32 = arith.constant 1 : i32
    %c0_i32 = arith.constant 0 : i32
    %c0_i32_0 = arith.constant 0 : i32
    return %c1_i32, %arg0, %c0_i32 : i32, i32, i32
  }
  func.func @transform_3(%arg0: i32) -> (i32, i32, i32) {
    %c0_i32 = arith.constant 0 : i32
    %c0_i32_0 = arith.constant 0 : i32
    %c0_i32_1 = arith.constant 0 : i32
    return %c0_i32, %arg0, %c0_i32_0 : i32, i32, i32
  }
  func.func @transform_4(%arg0: i32) -> (i32, i32, i32) {
    %c1_i32 = arith.constant 1 : i32
    %c0_i32 = arith.constant 0 : i32
    %c0_i32_0 = arith.constant 0 : i32
    return %c1_i32, %arg0, %c0_i32 : i32, i32, i32
  }
  func.func @transform_5(%arg0: i32) -> (i32, i32) {
    %c0_i32 = arith.constant 0 : i32
    %c0_i32_0 = arith.constant 0 : i32
    %c0_i32_1 = arith.constant 0 : i32
    return %c0_i32, %c0_i32_0 : i32, i32
  }
  func.func @transform_6(%arg0: i32) -> (i32, i32) {
    %c0_i32 = arith.constant 0 : i32
    %c0_i32_0 = arith.constant 0 : i32
    %c0_i32_1 = arith.constant 0 : i32
    return %c0_i32, %c0_i32_0 : i32, i32
  }
  func.func @transform_7(%arg0: i32) -> (i32, i32) {
    %c0_i32 = arith.constant 0 : i32
    %c0_i32_0 = arith.constant 0 : i32
    %c0_i32_1 = arith.constant 0 : i32
    return %c0_i32, %c0_i32_0 : i32, i32
  }
  func.func @transform_8(%arg0: i32) -> (i32, i32) {
    %c0_i32 = arith.constant 0 : i32
    %c0_i32_0 = arith.constant 0 : i32
    %c0_i32_1 = arith.constant 0 : i32
    return %c0_i32, %c0_i32_0 : i32, i32
  }
  func.func @transform_9(%arg0: i32) -> (i32, i32) {
    %c0_i32 = arith.constant 0 : i32
    %c0_i32_0 = arith.constant 0 : i32
    return %arg0, %c0_i32 : i32, i32
  }
}

</mosaic_0001>

<sc_bundles>
// kernel: kernel.4.cloned.1.call-start
scs
__scs_entry_jumppad:
0x0: {  	(pc) =	sbr.rel $0x88, $3  }
0x1: {  	(tag) =	ssettag $0x0;
	lr =	simm.s32 $0x1  }
0x2: {  	[smem:$0x3F9B] =	sst lr;
	_ =	strace $0xD0000000  }
0x3: {  	_ = 	snop  }
0x4: {  	_ = 	snop  }
0x5: {  	_ = 	snop  }
0x6: {  	_ = 	snop  }
0x7: {  	_ = 	snop  }
__scs_overlays_trampoline_lowered:
0x8: {  	[smem:$0x3FAA] =	sst s0  }
0x9: {  	[smem:$0x3FAB] =	sst s1  }
0xa: {  	[smem:$0x3FAC] =	sst s2  }
0xb: {  	[smem:$0x3FAD] =	sst s3  }
0xc: {  	[smem:$0x3FAE] =	sst s4  }
0xd: {  	[smem:$0x3FAF] =	sst s5  }
0xe: {  	[smem:$0x3FB0] =	sst s6  }
0xf: {  	[smem:$0x3FB1] =	sst s7  }
0x10: {  	[smem:$0x3FB2] =	sst s8  }
0x11: {  	[smem:$0x3FB3] =	sst s9;
	s0 =	simm.s32 @!p0 $0x0  }
0x12: {  	s1 =	sld [smem:$0x3F99];
	s0 =	simm.s32 @p0 $0x1  }
0x13: {  	[smem:$0x3FB4] =	sst s0;
	s0 =	simm.s32 @!p1 $0x0  }
0x14: {  	s2 =	sld [smem:$0x3F98];
	s0 =	simm.s32 @p1 $0x1  }
0x15: {  	[smem:$0x3FB5] =	sst s0;
	s0 =	simm.s32 @!p2 $0x0  }
0x16: {  	s3 =	sld [smem:$0x3FDB];
	s0 =	simm.s32 @p2 $0x1  }
0x17: {  	s4 =	simm.s32 $0x1BF5;
	[smem:$0x3FB7] =	sst s0  }
0x18: {  	s0 =	sld [smem:$0x3F9A];
	_ =	swait.ge [sflag:s4], $0x0  }
0x19: {  	s7 =	sld [smem:$0x3F9B]  }
0x1a: {  	s8 =	sadd.s32 $0xFFFFE003, lr  }
0x1b: {  	s9 =	sadd.s32 $0xFFFFFEF7, lr;
	s5 =	simm.s32 $0xFFFFFFFF;
	p2 =	slt.u32 s8, $0xFFFFF086  }
0x1c: {  	p1 =	slt.u32 s9, $0xF7A;
	s5 =	simm.s32 @!p2 $0x0  }
0x1d: {  	s5 =	simm.s32 @p1 $0x1;
	p0 =	seq.s32 s7, s2  }
0x1e: {  	s7 =	smul.u32 @!p0 $0xF7A, s2;
	p2 =	seq.s32 @!p0 s5, $0x0  }
0x1f: {  	s9 =	smul.u32 $0xF7A, s1;
	s8 =	simm.s32 @!p0 $0x1BF5;
	p2 =	por !p2, p0  }
0x20: {  	[sflag:s8] =	ssyncset.s32 @!p0 $0xFFFFF086;
	s6 =	sadd.s32 @!p0 s3, s7;
	s7 =	simm.s32 @!p0 $0x108  }
0x21: {  	s3 =	sadd.s32 s3, s9;
	s6 =	sadd.s32 @!p0 $0x88, s6;
	s7 =	simm.s32 @p2 $0x1082  }
0x22: {  	[simem:s7], [sflag:s8] =	dma.local @!p0 [hbm:s6], $0xF7A  }
0x23: {  	s9 =	sor.u32 $0xD0000000, s2;
	s6 =	simm.s32 $0x108;
	_ =	swait.ge @!p0 [sflag:s8], $0x0  }
0x24: {  	s3 =	sadd.s32 $0x88, s3;
	s6 =	simm.s32 @!p1 $0x1082;
	[sflag:s4] =	ssyncset.s32 $0xFFFFF086  }
0x25: {  	[simem:s6], [sflag:s4] =	dma.local [hbm:s3], $0xF7A  }
0x26: {  	[smem:$0x3F9B] =	sst s1;
	(tag) =	ssettag s2;
	_ =	strace s9  }
0x27: {  	s1 =	sld [smem:$0x3FAB]  }
0x28: {  	s2 =	sld [smem:$0x3FAC]  }
0x29: {  	s4 =	sld [smem:$0x3FAE]  }
0x2a: {  	p0 =	seq.s32 s5, $0x0;
	s5 =	sld [smem:$0x3FAF]  }
0x2b: {  	s6 =	sld [smem:$0x3FB0]  }
0x2c: {  	s7 =	sld [smem:$0x3FB1]  }
0x2d: {  	s3 =	simm.s32 $0x108;
	s8 =	sld [smem:$0x3FB2]  }
0x2e: {  	s3 =	simm.s32 @!p0 $0x1082;
	s9 =	sld [smem:$0x3FB3]  }
0x2f: {  	lr =	sadd.s32 s0, s3;
	s0 =	sld [smem:$0x3FAA]  }
0x30: {  	s3 =	sld [smem:$0x3FAD]  }
0x31: {  	[smem:$0x3FB6] =	sst s10  }
0x32: {  	s10 =	sld [smem:$0x3FB4];
	_ =	sdelay $0x3  }
0x33: {  	p0 =	seq.s32 s10, $0x1;
	s10 =	sld [smem:$0x3FB6];
	_ =	sdelay $0x3  }
0x34: {  	[smem:$0x3FB6] =	sst s10  }
0x35: {  	s10 =	sld [smem:$0x3FB5];
	_ =	sdelay $0x3  }
0x36: {  	p1 =	seq.s32 s10, $0x1;
	s10 =	sld [smem:$0x3FB6];
	_ =	sdelay $0x3  }
0x37: {  	[smem:$0x3FB6] =	sst s10  }
0x38: {  	s10 =	sld [smem:$0x3FB7]  }
0x39: {  	_ = 	snop;
	(pc) =	sbr.ind lr, $3  }
0x3a: {  	_ = 	snop  }
0x3b: {  	_ = 	snop  }
0x3c: {  	p2 =	seq.s32 s10, $0x1;
	s10 =	sld [smem:$0x3FB6]  }
0x3d: {  	_ =	shalt  }
0x3e: {  	_ =	shalt  }
0x3f: {  	_ =	shalt  }
0x40: {  	_ =	shalt  }
0x41: {  	_ =	shalt  }
0x42: {  	_ =	shalt  }
0x43: {  	_ =	shalt  }
0x44: {  	_ =	shalt  }
0x45: {  	_ =	shalt  }
0x46: {  	_ =	shalt  }
0x47: {  	_ =	shalt  }
0x48: {  	_ =	shalt  }
0x49: {  	_ =	shalt  }
0x4a: {  	_ =	shalt  }
0x4b: {  	_ =	shalt  }
0x4c: {  	_ =	shalt  }
0x4d: {  	_ =	shalt  }
0x4e: {  	_ =	shalt  }
0x4f: {  	_ =	shalt  }
0x50: {  	_ =	shalt  }
0x51: {  	_ =	shalt  }
0x52: {  	_ =	shalt  }
0x53: {  	_ =	shalt  }
0x54: {  	_ =	shalt  }
0x55: {  	_ =	shalt  }
0x56: {  	_ =	shalt  }
0x57: {  	_ =	shalt  }
0x58: {  	_ =	shalt  }
0x59: {  	_ =	shalt  }
0x5a: {  	_ =	shalt  }
0x5b: {  	_ =	shalt  }
0x5c: {  	_ =	shalt  }
0x5d: {  	_ =	shalt  }
0x5e: {  	_ =	shalt  }
0x5f: {  	_ =	shalt  }
0x60: {  	_ =	shalt  }
0x61: {  	_ =	shalt  }
0x62: {  	_ =	shalt  }
0x63: {  	_ =	shalt  }
0x64: {  	_ =	shalt  }
0x65: {  	_ =	shalt  }
0x66: {  	_ =	shalt  }
0x67: {  	_ =	shalt  }
0x68: {  	_ =	shalt  }
0x69: {  	_ =	shalt  }
0x6a: {  	_ =	shalt  }
0x6b: {  	_ =	shalt  }
0x6c: {  	_ =	shalt  }
0x6d: {  	_ =	shalt  }
0x6e: {  	_ =	shalt  }
0x6f: {  	_ =	shalt  }
0x70: {  	_ =	shalt  }
0x71: {  	_ =	shalt  }
0x72: {  	_ =	shalt  }
0x73: {  	_ =	shalt  }
0x74: {  	_ =	shalt  }
0x75: {  	_ =	shalt  }
0x76: {  	_ =	shalt  }
0x77: {  	_ =	shalt  }
0x78: {  	_ =	shalt  }
0x79: {  	_ =	shalt  }
0x7a: {  	_ =	shalt  }
0x7b: {  	_ =	shalt  }
0x7c: {  	_ =	shalt  }
0x7d: {  	_ =	shalt  }
0x7e: {  	_ =	shalt  }
0x7f: {  	_ =	shalt  }
0x80: {  	_ =	shalt  }
0x81: {  	_ =	shalt  }
0x82: {  	_ =	shalt  }
0x83: {  	_ =	shalt  }
0x84: {  	_ =	shalt  }
0x85: {  	_ =	shalt  }
0x86: {  	_ =	shalt  }
0x87: {  	_ =	shalt  }
.Lfunc_end0:
.L_simem_size_0:
called_computation_lowered:
.L_overlay_start_0:
0x88: {  	s2 =	sld [smem:$0x3FD9]  }
0x89: {  	s3 =	sld [smem:$0x3FFE];
	_ =	sdelay $0x1  }
0x8a: {  	s1 =	srdreg.scid  }
0x8b: {  	s0 =	sand.u32 $0x1, s1  }
0x8c: {  	s17 =	sshll.u32 s0, $0xA;
	s2 =	sadd.s32 s3, s2  }
0x8d: {  	s2 =	sadd.s32 s2, s17  }
0x8e: {  	[smem:$0x3FC2] =	sst s2  }
0x8f: {  	_ = 	snop  }
0x90: {  	s2 =	sld [smem:$0x3FC9]  }
0x91: {  	s18 =	sld [smem:$0x3FD0];
	(tm) =	ssettm $0x1  }
0x92: {  	s4 =	sld [smem:$0x3FFB];
	_ =	sdelay $0x3  }
0x93: {  	_ =	strace s4  }
0x94: {  	s4 =	sld [smem:$0x3FFC];
	_ =	sdelay $0x3  }
0x95: {  	_ =	strace s4  }
0x96: {  	s4 =	sld [smem:$0x3FFD];
	_ =	sdelay $0x3  }
0x97: {  	_ =	strace s4  }
0x98: {  	_ =	strace $0x8FFFFFFF  }
0x99: {  	s19 =	sld [smem:$0x3FDB];
	_ =	sdelay $0x1  }
0x9a: {  	s5 =	simm.s32 $_scs_section_size  }
0x9b: {  	s6 =	simm.s32 $_size__tile_overlayer_lowered;
	s7 =	simm.s32 $_tile_overlayer_lowered  }
0x9c: {  	s22 =	simm.s32 $0x1BFF;
	s21 =	sshll.u32 s7, $0x1;
	s4 =	sadd.s32 s5, s19  }
0x9d: {  	s8 =	simm.s32 $0x0;
	s20 =	sshll.u32 s6, $0x1;
	s6 =	sadd.s32 s21, s4  }
0x9e: {  	[timem:s8], [sflag:s22] =	dma.local [hbm:s6], s20  }
0x9f: {  	_ =	swait.ge [sflag:s22], s20  }
0xa0: {  	s5 =	ssub.s32 $0x0, s20;
	[sflag:s22] =	ssyncset.done $0x0  }
0xa1: {  	[sflag:s22] =	ssyncadd.s32 s5;
	_ =	sdelay $0x1  }
0xa2: {  	s23 =	simm.s32 $0x1B8B  }
0xa3: {  	_ =	swait.ge [sflag:s23], $0x1  }
0xa4: {  	[sflag:s23] =	ssyncset.done $0x0  }
0xa5: {  	s25 =	simm.s32 $0x1B8E;
	s24 =	sld [smem:$0x3FFE];
	[sflag:s23] =	ssyncadd.s32 $0xFFFFFFFF  }
0xa6: {  	s26 =	simm.s32 $execute0_lowered;
	[smem:$0x3FD2] =	sst s25  }
0xa7: {  	s6 =	sshll.u32 s26, $0x1;
	_ =	strace $0x80000046;
	[dreg:$0x1] =	wrdreg $0xFFFFFFFF  }
0xa8: {  	s28 =	simm.s32 $_size_execute0_lowered;
	s4 =	sadd.s32 s4, s6;
	[dreg:$0x0] =	wrdreg $0x0  }
0xa9: {  	s6 =	sshll.u32 s28, $0x1;
	[dreg:$0x2] =	wrdreg s4  }
0xaa: {  	[dreg:$0x3] =	wrdreg s6  }
0xab: {  	[dreg:$0x4] =	wrdreg $0xC0  }
0xac: {  	_ =	task [dreg:s8], $0x5FFFF  }
0xad: {  	[dreg:$0x1] =	wrdreg $0xFFFFFFFF  }
0xae: {  	[dreg:$0x0] =	wrdreg $0x60  }
0xaf: {  	[dreg:$0x2] =	wrdreg s2  }
0xb0: {  	[dreg:$0x3] =	wrdreg s18  }
0xb1: {  	[dreg:$0x4] =	wrdreg s24  }
0xb2: {  	[dreg:$0x5] =	wrdreg $0xAA800  }
0xb3: {  	[dreg:$0x6] =	wrdreg $0x1EA800  }
0xb4: {  	[dreg:$0x7] =	wrdreg $0x9  }
0xb5: {  	_ =	task.clear_ibuf [dreg:s8], $0x8FFFF;
	_ =	strace $0x90000046  }
0xb6: {  	s29 =	simm.s32 $0x9;
	_ =	strace $0x80000048  }
0xb7: {  	_ =	swait.ge [sflag:s29], $0x1  }
0xb8: {  	[sflag:s29] =	ssyncadd.s32 $0xFFFFFFFF  }
0xb9: {  	_ =	strace $0x90000048  }
0xba: {  	_ =	sfence  }
0xbb: {  	s30 =	sld [smem:$0x0];
	_ =	sdelay $0x2  }
0xbc: {  	s31 =	sshll.u32 s1, $0xD;
	s1 =	sshrl.u32 s1, $0x2  }
0xbd: {  	s3 =	sand.u32 $0x4000, s31;
	s1 =	sadd.s32 s1, s30  }
0xbe: {  	s0 =	sor.u32 s3, s0;
	s1 =	sshll.u32 s1, $0x11  }
0xbf: {  	s0 =	sor.u32 s1, s0  }
0xc0: {  	s0 =	sadd.s32 $0x8F2B, s0  }
0xc1: {  	[sflag:s0] =	ssyncadd.remote.s32 $0x1  }
0xc2: {  	_ =	sfence.sel $0xFFFF  }
0xc3: {  	[dreg:$0x0] =	wrdreg $0xFFFFFFFF;
	(pc) =	sbr.abs _section_cstart, $3  }
0xc4: {  	[dreg:$0x1] =	wrdreg $0xFFFFFFFF  }
0xc5: {  	_ =	task.clear_ibuf [dreg:s8], $0x2FFFF;
	_ =	strace $0x9FFFFFFF  }
0xc6: {  	(tm) =	ssettm $0x7FFFFFFF  }
0xc7: {  	_ =	shalt  }
tec
execute0_lowered:
.L_overlay_start_1:
0x0: {  	(tag) =	ssettag $0x1  }
0x1: {  	s0 =	rddreg [dreg:$0x0]  }
0x2: {  	s1 =	rddreg [dreg:$0x1]  }
0x3: {  	s2 =	rddreg [dreg:$0x2]  }
0x4: {  	s3 =	rddreg [dreg:$0x3];
	s5 =	srdreg.scid  }
0x5: {  	s4 =	rddreg [dreg:$0x4];
	s18 =	stileid.u32;
	s17 =	simm.s32 $0x3  }
0x6: {  	s28 =	simm.s32 $0xAA00;
	s29 =	simm.s32 $0x2;
	s9 =	smul.u32 $0x14000, s18  }
0x7: {  	s30 =	simm.s32 $0x2980;
	s7 =	sand.u32 $0x1, s5;
	s13 =	smul.u32 $0x280, s18  }
0x8: {  	s5 =	simm.s32 $0x0;
	s6 =	sadd.s32 $0x1800, s2;
	s10 =	smul.u32 $0x500, s18  }
0x9: {  	s22 =	sshll.u32 s18, $0x1;
	s23 =	smul.u32 $0x50000, s18;
	s31 =	sshll.u32 s18, $0x6  }
0xa: {  	s18 =	simm.s32 $0x2A00;
	s8 =	smul.u32 $0x140000, s7;
	[smem:$0x7FF] =	sst s5  }
0xb: {  	s21 =	sshll.u32 s7, $0x7;
	s11 =	ssub.s32 $0x2, s7;
	s7 =	sor.u32 s7, s22  }
0xc: {  	s19 =	sor.u32 $0x1C03, s31;
	s22 =	simm.s32 $0x2800;
	_ =	strace $0x80000047  }
0xd: {  	s20 =	sshrl.u32 s13, $0x3;
	s24 =	sshrl.u32 s11, $0x1;
	s12 =	smul.u32 $0x500, s7  }
0xe: {  	s25 =	sshrl.u32 s23, $0x2;
	s26 =	sadd.s32 s13, s4;
	s23 =	simm.s32 $0x2880  }
0xf: {  	s8 =	sadd.s32 s9, s8;
	s14 =	sadd.s32 s20, s2;
	s16 =	ssub.s32 s11, s24  }
0x10: {  	s7 =	sadd.s32 s25, s3;
	s20 =	sshrl.u32 s26, $0x3;
	s24 =	simm.s32 $0x6A00  }
0x11: {  	s25 =	simm.s32 $0x1;
	s26 =	simm.s32 $0x2900;
	s8 =	sshrl.u32 s8, $0x3  }
0x12: {  	s9 =	sadd.s32 $0x4000, s7;
	s11 =	sadd.s32 $0xC000, s7;
	s13 =	sadd.s32 $0x1200, s14  }
0x13: {  	s16 =	smax.u32 s16, $0x1;
	s15 =	sadd.s32 s8, s2;
	s8 =	sor.u32 s21, s10  }
0x14: {  	s10 =	sadd.s32 $0x8000, s7;
	s21 =	simm.s32 $0x80;
	s8 =	sshrl.u32 s8, $0x3  }
0x15: {  	s14 =	sadd.s32 $0x2A00, s15;
	s2 =	sadd.s32 s8, s2;
	s8 =	sadd.s32 s1, s12  }
0x16: {  	v0 =	vimm.f32 $1.000000000e+00;
	s12 =	sadd.s32 $0x10000, s7;
	s15 =	sadd.s32 $0x2000, s2;
	s2 =	simm.s32 $0x0  }
.LBB2_1:
0x17: {  	[tilespmem:s5], [sflag:$0x3] =	stream.linear.gather [hbm4b:s8+s5], $0x2780, $0x38;
	[tilespmem:$0x1ED00] =	vst v63  }
0x18: {  	_ =	swait.ge [sflag:s17], $0x2780  }
0x19: {  	[sflag:s17] =	ssyncset.done $0x0  }
0x1a: {  	[sflag:s17] =	ssyncadd.s32 $0xFFFFD880  }
0x1b: {  	[tilespmem:s18], [sflag:$0x3] =	stream.linear.gather [hbm4b:s6+s5], $0x4000, $0x38;
	[tilespmem:$0x1ED00] =	vst v63  }
0x1c: {  	_ =	swait.ge [sflag:s17], $0x4000  }
0x1d: {  	[sflag:s17] =	ssyncset.done $0x0  }
0x1e: {  	[sflag:s17] =	ssyncadd.s32 $0xFFFFC000  }
0x1f: {  	[spmem:s7] =	stream.linear.scatter [tilespmem:s18], [sflag:$0x3], $0x4000, $0x38;
	[tilespmem:$0x1ED00] =	vst v63  }
0x20: {  	_ =	swait.ge [sflag:s17], $0x4000  }
0x21: {  	[sflag:s17] =	ssyncset.done $0x0  }
0x22: {  	[sflag:s17] =	ssyncadd.s32 $0xFFFFC000  }
0x23: {  	[spmem:s9] =	stream.linear.scatter [tilespmem:s18], [sflag:$0x3], $0x4000, $0x38;
	[tilespmem:$0x1ED00] =	vst v63  }
0x24: {  	_ =	swait.ge [sflag:s17], $0x4000  }
0x25: {  	[sflag:s17] =	ssyncset.done $0x0  }
0x26: {  	[sflag:s17] =	ssyncadd.s32 $0xFFFFC000  }
0x27: {  	[spmem:s10] =	stream.linear.scatter [tilespmem:s18], [sflag:$0x3], $0x4000, $0x38;
	[tilespmem:$0x1ED00] =	vst v63  }
0x28: {  	_ =	swait.ge [sflag:s17], $0x4000  }
0x29: {  	[sflag:s17] =	ssyncset.done $0x0  }
0x2a: {  	[sflag:s17] =	ssyncadd.s32 $0xFFFFC000  }
0x2b: {  	[spmem:s11] =	stream.linear.scatter [tilespmem:s18], [sflag:$0x3], $0x4000, $0x38;
	[tilespmem:$0x1ED00] =	vst v63  }
0x2c: {  	_ =	swait.ge [sflag:s17], $0x4000  }
0x2d: {  	[sflag:s17] =	ssyncset.done $0x0  }
0x2e: {  	[sflag:s17] =	ssyncadd.s32 $0xFFFFC000  }
0x2f: {  	[spmem:s12] =	stream.linear.scatter [tilespmem:s18], [sflag:$0x3], $0x4000, $0x38;
	[tilespmem:$0x1ED00] =	vst v63  }
0x30: {  	_ =	swait.ge [sflag:s17], $0x4000  }
0x31: {  	[sflag:s17] =	ssyncset.done $0x0  }
0x32: {  	[sflag:s17] =	ssyncadd.s32 $0xFFFFC000  }
0x33: {  	[spmem:s20], [sflag:s19] =	dma.local [hbm:s13], $0x50  }
0x34: {  	_ =	swait.ge [sflag:s17], $0x50  }
0x35: {  	[sflag:s17] =	ssyncset.done $0x0  }
0x36: {  	[sflag:s17] =	ssyncadd.s32 $0xFFFFFFB0  }
0x37: {  	[tilespmem:$0xAA00] =	vst v0  }
0x38: {  	[tilespmem:$0xAA10] =	vst v0  }
0x39: {  	[tilespmem:$0xAA20] =	vst v0  }
0x3a: {  	[tilespmem:$0xAA30] =	vst v0  }
0x3b: {  	[tilespmem:$0xAA40] =	vst v0  }
0x3c: {  	[tilespmem:$0xAA50] =	vst v0  }
0x3d: {  	[tilespmem:$0xAA60] =	vst v0  }
0x3e: {  	[tilespmem:$0xAA70] =	vst v0  }
0x3f: {  	[bflag:$0x0] =	sbarrier.arrive $0xFFFF  }
0x40: {  	v1 =	vld [tilespmem:$0x0];
	_ =	sdelay $0x1  }
0x41: {  	v2 =	vld [tilespmem:$0x10];
	_ =	sdelay $0x1  }
0x42: {  	v3 =	vld [tilespmem:$0x20]  }
0x43: {  	v4 =	vshrl.u32 v1, $0xE  }
0x44: {  	v62 =	vld [tilespmem:$0x30];
	v1 =	vand.u32 $0x3FFF, v1;
	[tilespmem:$0x2800] =	vst v4  }
0x45: {  	[tilespmem:$0x2900] =	vst v1;
	v1 =	vshrl.u32 v2, $0xE  }
0x46: {  	[tilespmem:$0x2810] =	vst v1;
	v1 =	vand.u32 $0x3FFF, v2;
	v2 =	vld [tilespmem:$0x40]  }
0x47: {  	[tilespmem:$0x2910] =	vst v1;
	v1 =	vshrl.u32 v3, $0xE  }
0x48: {  	[tilespmem:$0x2820] =	vst v1;
	v1 =	vand.u32 $0x3FFF, v3;
	v3 =	vld [tilespmem:$0x50]  }
0x49: {  	[tilespmem:$0x2920] =	vst v1;
	v1 =	vshrl.u32 v62, $0xE  }
0x4a: {  	v63 =	vld [tilespmem:$0x60];
	[tilespmem:$0x2830] =	vst v1;
	v1 =	vand.u32 $0x3FFF, v62  }
0x4b: {  	[tilespmem:$0x2930] =	vst v1;
	v1 =	vshrl.u32 v2, $0xE  }
0x4c: {  	[tilespmem:$0x2840] =	vst v1;
	v1 =	vand.u32 $0x3FFF, v2;
	v2 =	vld [tilespmem:$0x70]  }
0x4d: {  	[tilespmem:$0x2940] =	vst v1;
	v1 =	vshrl.u32 v3, $0xE  }
0x4e: {  	[tilespmem:$0x2850] =	vst v1;
	v1 =	vand.u32 $0x3FFF, v3  }
0x4f: {  	[tilespmem:$0x2950] =	vst v1;
	v1 =	vshrl.u32 v63, $0xE  }
0x50: {  	[tilespmem:$0x2860] =	vst v1;
	v1 =	vand.u32 $0x3FFF, v63  }
0x51: {  	[tilespmem:$0x2960] =	vst v1;
	v1 =	vshrl.u32 v2, $0xE  }
0x52: {  	[tilespmem:$0x2870] =	vst v1;
	v1 =	vand.u32 $0x3FFF, v2  }
0x53: {  	s1 =	simm.s32 $0x0;
	[tilespmem:$0x2970] =	vst v1  }
0x54: {  	[tilespmem:s18], [sflag:$0x1] =	stream.indirect.gather [hbm4b:s0+s21], $0x80, s22, s21, $0xb8;
	[tilespmem:$0x1ED00] =	vst v63  }
0x55: {  	v1 =	vld [tilespmem:s1+$0x80];
	_ =	sdelay $0x4  }
0x56: {  	v2 =	vshrl.u32 v1, $0xE  }
0x57: {  	v1 =	vand.u32 $0x3FFF, v1;
	[tilespmem:$0x2880] =	vst v2  }
0x58: {  	[tilespmem:$0x2980] =	vst v1  }
0x59: {  	v1 =	vld [tilespmem:s1+$0x90];
	_ =	sdelay $0x4  }
0x5a: {  	v2 =	vshrl.u32 v1, $0xE  }
0x5b: {  	v1 =	vand.u32 $0x3FFF, v1;
	[tilespmem:$0x2890] =	vst v2  }
0x5c: {  	[tilespmem:$0x2990] =	vst v1  }
0x5d: {  	v1 =	vld [tilespmem:s1+$0xA0];
	_ =	sdelay $0x4  }
0x5e: {  	v2 =	vshrl.u32 v1, $0xE  }
0x5f: {  	v1 =	vand.u32 $0x3FFF, v1;
	[tilespmem:$0x28A0] =	vst v2  }
0x60: {  	[tilespmem:$0x29A0] =	vst v1  }
0x61: {  	v1 =	vld [tilespmem:s1+$0xB0];
	_ =	sdelay $0x4  }
0x62: {  	v2 =	vshrl.u32 v1, $0xE  }
0x63: {  	v1 =	vand.u32 $0x3FFF, v1;
	[tilespmem:$0x28B0] =	vst v2  }
0x64: {  	[tilespmem:$0x29B0] =	vst v1  }
0x65: {  	v1 =	vld [tilespmem:s1+$0xC0];
	_ =	sdelay $0x4  }
0x66: {  	v2 =	vshrl.u32 v1, $0xE  }
0x67: {  	v1 =	vand.u32 $0x3FFF, v1;
	[tilespmem:$0x28C0] =	vst v2  }
0x68: {  	[tilespmem:$0x29C0] =	vst v1  }
0x69: {  	v1 =	vld [tilespmem:s1+$0xD0];
	_ =	sdelay $0x4  }
0x6a: {  	v2 =	vshrl.u32 v1, $0xE  }
0x6b: {  	v1 =	vand.u32 $0x3FFF, v1;
	[tilespmem:$0x28D0] =	vst v2  }
0x6c: {  	[tilespmem:$0x29D0] =	vst v1  }
0x6d: {  	v1 =	vld [tilespmem:s1+$0xE0];
	_ =	sdelay $0x4  }
0x6e: {  	v2 =	vshrl.u32 v1, $0xE  }
0x6f: {  	v1 =	vand.u32 $0x3FFF, v1;
	[tilespmem:$0x28E0] =	vst v2  }
0x70: {  	[tilespmem:$0x29E0] =	vst v1  }
0x71: {  	v1 =	vld [tilespmem:s1+$0xF0];
	_ =	sdelay $0x4  }
0x72: {  	v2 =	vshrl.u32 v1, $0xE  }
0x73: {  	v1 =	vand.u32 $0x3FFF, v1;
	[tilespmem:$0x28F0] =	vst v2  }
0x74: {  	[tilespmem:$0x29F0] =	vst v1  }
0x75: {  	[tilespmem:s24], [sflag:$0x2] =	stream.indirect.gather [hbm4b:s0+s21], $0x80, s23, s21, $0xb8;
	[tilespmem:$0x1ED00] =	vst v63  }
0x76: {  	_ =	swait.ge [sflag:s25], $0x4000  }
0x77: {  	[sflag:s25] =	ssyncset.done $0x0  }
0x78: {  	[sflag:s25] =	ssyncadd.s32 $0xFFFFC000  }
0x79: {  	[spmem:s3] =	stream.indirect.scatter.add.f32 [tilespmem:s18], [sflag:$0x3], $0x80, s26, s21, $0xb8;
	[tilespmem:$0x1ED00] =	vst v63  }
0x7a: {  	_ =	swait.ge [sflag:s17], $0x4000  }
0x7b: {  	[sflag:s17] =	ssyncset.done $0x0  }
0x7c: {  	[sflag:s17] =	ssyncadd.s32 $0xFFFFC000  }
0x7d: {  	[spmem:s4] =	stream.indirect.scatter.add.f32 [tilespmem:s28], [sflag:$0x3], $0x1, s26, s21, $0xb8;
	[tilespmem:$0x1ED00] =	vst v63  }
0x7e: {  	_ =	swait.ge [sflag:s17], $0x80  }
0x7f: {  	[sflag:s17] =	ssyncset.done $0x0  }
0x80: {  	[sflag:s17] =	ssyncadd.s32 $0xFFFFFF80  }
0x81: {  	v1 =	vld [tilespmem:s1+$0x100];
	_ =	sdelay $0x4  }
0x82: {  	v2 =	vshrl.u32 v1, $0xE  }
0x83: {  	v1 =	vand.u32 $0x3FFF, v1;
	[tilespmem:$0x2800] =	vst v2  }
0x84: {  	[tilespmem:$0x2900] =	vst v1  }
0x85: {  	v1 =	vld [tilespmem:s1+$0x110];
	_ =	sdelay $0x4  }
0x86: {  	v2 =	vshrl.u32 v1, $0xE  }
0x87: {  	v1 =	vand.u32 $0x3FFF, v1;
	[tilespmem:$0x2810] =	vst v2  }
0x88: {  	[tilespmem:$0x2910] =	vst v1  }
0x89: {  	v1 =	vld [tilespmem:s1+$0x120];
	_ =	sdelay $0x4  }
0x8a: {  	v2 =	vshrl.u32 v1, $0xE  }
0x8b: {  	v1 =	vand.u32 $0x3FFF, v1;
	[tilespmem:$0x2820] =	vst v2  }
0x8c: {  	[tilespmem:$0x2920] =	vst v1  }
0x8d: {  	v1 =	vld [tilespmem:s1+$0x130];
	_ =	sdelay $0x4  }
0x8e: {  	v2 =	vshrl.u32 v1, $0xE  }
0x8f: {  	v1 =	vand.u32 $0x3FFF, v1;
	[tilespmem:$0x2830] =	vst v2  }
0x90: {  	[tilespmem:$0x2930] =	vst v1  }
0x91: {  	v1 =	vld [tilespmem:s1+$0x140];
	_ =	sdelay $0x4  }
0x92: {  	v2 =	vshrl.u32 v1, $0xE  }
0x93: {  	v1 =	vand.u32 $0x3FFF, v1;
	[tilespmem:$0x2840] =	vst v2  }
0x94: {  	[tilespmem:$0x2940] =	vst v1  }
0x95: {  	v1 =	vld [tilespmem:s1+$0x150];
	_ =	sdelay $0x4  }
0x96: {  	v2 =	vshrl.u32 v1, $0xE  }
0x97: {  	v1 =	vand.u32 $0x3FFF, v1;
	[tilespmem:$0x2850] =	vst v2  }
0x98: {  	[tilespmem:$0x2950] =	vst v1  }
0x99: {  	v1 =	vld [tilespmem:s1+$0x160];
	_ =	sdelay $0x4  }
0x9a: {  	v2 =	vshrl.u32 v1, $0xE  }
0x9b: {  	v1 =	vand.u32 $0x3FFF, v1;
	[tilespmem:$0x2860] =	vst v2  }
0x9c: {  	[tilespmem:$0x2960] =	vst v1  }
0x9d: {  	s31 =	simm.s32 $0x400;
	v1 =	vld [tilespmem:s1+$0x170]  }
.LBB2_2:
0x9e: {  	_ =	sdelay $0x1  }
0x9f: {  	p0 =	sne.s32 s31, $0x9800;
	s1 =	smov.u32 s31;
	s31 =	sadd.s32 $0x400, s31  }
0xa0: {  	_ = 	snop  }
0xa1: {  	v2 =	vshrl.u32 v1, $0xE;
	v1 =	vand.u32 $0x3FFF, v1  }
0xa2: {  	[tilespmem:$0x2870] =	vst v2  }
0xa3: {  	[tilespmem:$0x2970] =	vst v1  }
0xa4: {  	[tilespmem:s18], [sflag:$0x1] =	stream.indirect.gather [hbm4b:s0+s21], $0x80, s22, s21, $0xb8;
	[tilespmem:$0x1ED00] =	vst v63  }
0xa5: {  	_ =	swait.ge [sflag:s29], $0x4000  }
0xa6: {  	[sflag:s29] =	ssyncset.done $0x0  }
0xa7: {  	[sflag:s29] =	ssyncadd.s32 $0xFFFFC000  }
0xa8: {  	[spmem:s3] =	stream.indirect.scatter.add.f32 [tilespmem:s24], [sflag:$0x3], $0x80, s30, s21, $0xb8;
	[tilespmem:$0x1ED00] =	vst v63  }
0xa9: {  	_ =	swait.ge [sflag:s17], $0x4000  }
0xaa: {  	[sflag:s17] =	ssyncset.done $0x0  }
0xab: {  	[sflag:s17] =	ssyncadd.s32 $0xFFFFC000  }
0xac: {  	[spmem:s4] =	stream.indirect.scatter.add.f32 [tilespmem:s28], [sflag:$0x3], $0x1, s30, s21, $0xb8;
	[tilespmem:$0x1ED00] =	vst v63  }
0xad: {  	_ =	swait.ge [sflag:s17], $0x80  }
0xae: {  	[sflag:s17] =	ssyncset.done $0x0  }
0xaf: {  	s1 =	sshra.s32 s1, $0x2;
	[sflag:s17] =	ssyncadd.s32 $0xFFFFFF80  }
0xb0: {  	v1 =	vld [tilespmem:s1+$0x80];
	_ =	sdelay $0x4  }
0xb1: {  	v2 =	vshrl.u32 v1, $0xE;
	v1 =	vand.u32 $0x3FFF, v1  }
0xb2: {  	[tilespmem:$0x2880] =	vst v2  }
0xb3: {  	[tilespmem:$0x2980] =	vst v1  }
0xb4: {  	v1 =	vld [tilespmem:s1+$0x90];
	_ =	sdelay $0x4  }
0xb5: {  	v2 =	vshrl.u32 v1, $0xE;
	v1 =	vand.u32 $0x3FFF, v1  }
0xb6: {  	[tilespmem:$0x2890] =	vst v2  }
0xb7: {  	[tilespmem:$0x2990] =	vst v1  }
0xb8: {  	v1 =	vld [tilespmem:s1+$0xA0];
	_ =	sdelay $0x4  }
0xb9: {  	v2 =	vshrl.u32 v1, $0xE;
	v1 =	vand.u32 $0x3FFF, v1  }
0xba: {  	[tilespmem:$0x28A0] =	vst v2  }
0xbb: {  	[tilespmem:$0x29A0] =	vst v1  }
0xbc: {  	v1 =	vld [tilespmem:s1+$0xB0];
	_ =	sdelay $0x4  }
0xbd: {  	v2 =	vshrl.u32 v1, $0xE;
	v1 =	vand.u32 $0x3FFF, v1  }
0xbe: {  	[tilespmem:$0x28B0] =	vst v2  }
0xbf: {  	[tilespmem:$0x29B0] =	vst v1  }
0xc0: {  	v1 =	vld [tilespmem:s1+$0xC0];
	_ =	sdelay $0x4  }
0xc1: {  	v2 =	vshrl.u32 v1, $0xE;
	v1 =	vand.u32 $0x3FFF, v1  }
0xc2: {  	[tilespmem:$0x28C0] =	vst v2  }
0xc3: {  	[tilespmem:$0x29C0] =	vst v1  }
0xc4: {  	v1 =	vld [tilespmem:s1+$0xD0];
	_ =	sdelay $0x4  }
0xc5: {  	v2 =	vshrl.u32 v1, $0xE;
	v1 =	vand.u32 $0x3FFF, v1  }
0xc6: {  	[tilespmem:$0x28D0] =	vst v2  }
0xc7: {  	[tilespmem:$0x29D0] =	vst v1  }
0xc8: {  	v1 =	vld [tilespmem:s1+$0xE0];
	_ =	sdelay $0x4  }
0xc9: {  	v2 =	vshrl.u32 v1, $0xE;
	v1 =	vand.u32 $0x3FFF, v1  }
0xca: {  	[tilespmem:$0x28E0] =	vst v2  }
0xcb: {  	[tilespmem:$0x29E0] =	vst v1  }
0xcc: {  	v1 =	vld [tilespmem:s1+$0xF0];
	_ =	sdelay $0x4  }
0xcd: {  	v2 =	vshrl.u32 v1, $0xE;
	v1 =	vand.u32 $0x3FFF, v1  }
0xce: {  	[tilespmem:$0x28F0] =	vst v2  }
0xcf: {  	[tilespmem:$0x29F0] =	vst v1  }
0xd0: {  	[tilespmem:s24], [sflag:$0x2] =	stream.indirect.gather [hbm4b:s0+s21], $0x80, s23, s21, $0xb8;
	[tilespmem:$0x1ED00] =	vst v63  }
0xd1: {  	_ =	swait.ge [sflag:s25], $0x4000  }
0xd2: {  	[sflag:s25] =	ssyncset.done $0x0  }
0xd3: {  	[sflag:s25] =	ssyncadd.s32 $0xFFFFC000  }
0xd4: {  	[spmem:s3] =	stream.indirect.scatter.add.f32 [tilespmem:s18], [sflag:$0x3], $0x80, s26, s21, $0xb8;
	[tilespmem:$0x1ED00] =	vst v63  }
0xd5: {  	_ =	swait.ge [sflag:s17], $0x4000  }
0xd6: {  	[sflag:s17] =	ssyncset.done $0x0  }
0xd7: {  	[sflag:s17] =	ssyncadd.s32 $0xFFFFC000  }
0xd8: {  	[spmem:s4] =	stream.indirect.scatter.add.f32 [tilespmem:s28], [sflag:$0x3], $0x1, s26, s21, $0xb8;
	[tilespmem:$0x1ED00] =	vst v63  }
0xd9: {  	_ =	swait.ge [sflag:s17], $0x80  }
0xda: {  	[sflag:s17] =	ssyncset.done $0x0  }
0xdb: {  	[sflag:s17] =	ssyncadd.s32 $0xFFFFFF80  }
0xdc: {  	v1 =	vld [tilespmem:s1+$0x100];
	_ =	sdelay $0x4  }
0xdd: {  	v2 =	vshrl.u32 v1, $0xE;
	v1 =	vand.u32 $0x3FFF, v1  }
0xde: {  	[tilespmem:$0x2800] =	vst v2  }
0xdf: {  	[tilespmem:$0x2900] =	vst v1  }
0xe0: {  	v1 =	vld [tilespmem:s1+$0x110];
	_ =	sdelay $0x4  }
0xe1: {  	v2 =	vshrl.u32 v1, $0xE;
	v1 =	vand.u32 $0x3FFF, v1  }
0xe2: {  	[tilespmem:$0x2810] =	vst v2  }
0xe3: {  	[tilespmem:$0x2910] =	vst v1  }
0xe4: {  	v1 =	vld [tilespmem:s1+$0x120];
	_ =	sdelay $0x4  }
0xe5: {  	v2 =	vshrl.u32 v1, $0xE;
	v1 =	vand.u32 $0x3FFF, v1  }
0xe6: {  	[tilespmem:$0x2820] =	vst v2  }
0xe7: {  	[tilespmem:$0x2920] =	vst v1  }
0xe8: {  	v1 =	vld [tilespmem:s1+$0x130];
	_ =	sdelay $0x4  }
0xe9: {  	v2 =	vshrl.u32 v1, $0xE;
	v1 =	vand.u32 $0x3FFF, v1  }
0xea: {  	[tilespmem:$0x2830] =	vst v2  }
0xeb: {  	[tilespmem:$0x2930] =	vst v1  }
0xec: {  	v1 =	vld [tilespmem:s1+$0x140];
	_ =	sdelay $0x4  }
0xed: {  	v2 =	vshrl.u32 v1, $0xE;
	v1 =	vand.u32 $0x3FFF, v1  }
0xee: {  	[tilespmem:$0x2840] =	vst v2  }
0xef: {  	[tilespmem:$0x2940] =	vst v1  }
0xf0: {  	v1 =	vld [tilespmem:s1+$0x150];
	_ =	sdelay $0x4  }
0xf1: {  	v2 =	vshrl.u32 v1, $0xE;
	v1 =	vand.u32 $0x3FFF, v1  }
0xf2: {  	[tilespmem:$0x2850] =	vst v2  }
0xf3: {  	[tilespmem:$0x2950] =	vst v1  }
0xf4: {  	v1 =	vld [tilespmem:s1+$0x160];
	_ =	sdelay $0x3  }
.Ltmp0:
0xf5: {  	(pc) =	sbr.rel @p0 .LBB2_2-.Ltmp0, $4  }
0xf6: {  	v2 =	vshrl.u32 v1, $0xE;
	v1 =	vand.u32 $0x3FFF, v1  }
0xf7: {  	[tilespmem:$0x2860] =	vst v2  }
0xf8: {  	[tilespmem:$0x2960] =	vst v1  }
0xf9: {  	v1 =	vld [tilespmem:s1+$0x170]  }
0xfa: {  	_ =	sdelay $0x3  }
0xfb: {  	v2 =	vshrl.u32 v1, $0xE  }
0xfc: {  	v1 =	vand.u32 $0x3FFF, v1;
	[tilespmem:$0x2870] =	vst v2  }
0xfd: {  	[tilespmem:$0x2970] =	vst v1  }
0xfe: {  	[tilespmem:s18], [sflag:$0x1] =	stream.indirect.gather [hbm4b:s0+s21], $0x80, s22, s21, $0xb8;
	[tilespmem:$0x1ED00] =	vst v63  }
0xff: {  	_ =	swait.ge [sflag:s29], $0x4000  }
0x100: {  	[sflag:s29] =	ssyncset.done $0x0  }
0x101: {  	[sflag:s29] =	ssyncadd.s32 $0xFFFFC000  }
0x102: {  	[spmem:s3] =	stream.indirect.scatter.add.f32 [tilespmem:s24], [sflag:$0x3], $0x80, s30, s21, $0xb8;
	[tilespmem:$0x1ED00] =	vst v63  }
0x103: {  	_ =	swait.ge [sflag:s17], $0x4000  }
0x104: {  	[sflag:s17] =	ssyncset.done $0x0  }
0x105: {  	[sflag:s17] =	ssyncadd.s32 $0xFFFFC000  }
0x106: {  	[spmem:s4] =	stream.indirect.scatter.add.f32 [tilespmem:s28], [sflag:$0x3], $0x1, s30, s21, $0xb8;
	[tilespmem:$0x1ED00] =	vst v63  }
0x107: {  	_ =	swait.ge [sflag:s17], $0x80  }
0x108: {  	[sflag:s17] =	ssyncset.done $0x0  }
0x109: {  	[sflag:s17] =	ssyncadd.s32 $0xFFFFFF80  }
0x10a: {  	_ =	swait.ge [sflag:s25], $0x4000  }
0x10b: {  	[sflag:s25] =	ssyncset.done $0x0  }
0x10c: {  	[sflag:s25] =	ssyncadd.s32 $0xFFFFC000  }
0x10d: {  	[spmem:s3] =	stream.indirect.scatter.add.f32 [tilespmem:s18], [sflag:$0x3], $0x80, s26, s21, $0xb8;
	[tilespmem:$0x1ED00] =	vst v63  }
0x10e: {  	_ =	swait.ge [sflag:s17], $0x4000  }
0x10f: {  	[sflag:s17] =	ssyncset.done $0x0  }
0x110: {  	[sflag:s17] =	ssyncadd.s32 $0xFFFFC000  }
0x111: {  	[spmem:s4] =	stream.indirect.scatter.add.f32 [tilespmem:s28], [sflag:$0x3], $0x1, s26, s21, $0xb8;
	[tilespmem:$0x1ED00] =	vst v63  }
0x112: {  	_ =	swait.ge [sflag:s17], $0x80  }
0x113: {  	[sflag:s17] =	ssyncset.done $0x0  }
0x114: {  	[sflag:s17] =	ssyncadd.s32 $0xFFFFFF80  }
0x115: {  	s1 =	sshrl.u32 s7, $0x3;
	[bflag:$0x0] =	sbarrier.arrive $0xFFFF  }
0x116: {  	[hbm:s14], [sflag:s19] =	dma.local [spmem:s1], $0x2800  }
0x117: {  	s2 =	sadd.s32 $0x1, s2;
	_ =	swait.ge [sflag:s17], $0x2800  }
0x118: {  	s31 =	simm.s32 $0x10;
	p0 =	sne.s32 s2, s16;
	[sflag:s17] =	ssyncset.done $0x0  }
.Ltmp1:
0x119: {  	s1 =	simm.s32 $0x20;
	[sflag:s17] =	ssyncadd.s32 $0xFFFFD800;
	(pc) =	sbr.rel @p0 .LBB2_1-.Ltmp1, $4  }
0x11a: {  	[hbm:s15@s1], [sflag:s19] =	dma.strided [spmem:s20@s31], $0x50, s25, $0x10   }
0x11b: {  	_ =	swait.ge [sflag:s17], $0x50  }
0x11c: {  	[sflag:s17] =	ssyncset.done $0x0  }
0x11d: {  	[sflag:s17] =	ssyncadd.s32 $0xFFFFFFB0  }
0x11e: {  	_ =	sfence.sel $0x180000  }
0x11f: {  	[bflag:$0x0] =	sbarrier.arrive $0xFFFF  }
0x120: {  	_ =	strace $0x90000047  }
0x121: {  	s0 =	stileid.u32;
	[bflag:$0x2] =	sbarrier.arrive $0xFFFF  }
0x122: {  	p0 =	sne.s32 s0, $0x0;
	s0 =	rddreg [dreg:$0x5]  }
0x123: {  	s0 =	sadd.s32 @!p0 $0x100000, s0  }
0x124: {  	[sflag:s0] =	ssyncadd.tile.s32 @!p0 $0x1;
	_ =	shalt  }
.Lfunc_end2:
_tile_overlayer_lowered:
.L_overlay_start_2:
0x125: {  	(tag) =	ssettag $0x2  }
0x126: {  	s0 =	rddreg [dreg:$0x0];
	s2 =	stileid.u32  }
0x127: {  	s1 =	rddreg [dreg:$0x1];
	p0 =	sne.s32 s2, $0x0  }
0x128: {  	s3 =	rddreg [dreg:$0x2];
	[bflag:$0x3] =	sbarrier.arrive $0xFFFF;
	s2 =	simm.s32 @!p0 $0x1C03  }
0x129: {  	[timem:s3], [sflag:s2] =	dma.local @!p0 [hbm:s0], s1  }
0x12a: {  	s0 =	simm.s32 @!p0 $0x3  }
0x12b: {  	_ =	swait.ge @!p0 [sflag:s0], s1  }
0x12c: {  	s1 =	ssub.s32 @!p0 $0x0, s1;
	[sflag:s0] =	ssyncset.done @!p0 $0x0  }
0x12d: {  	[sflag:s0] =	ssyncadd.s32 @!p0 s1  }
0x12e: {  	[bflag:$0x3] =	sbarrier.arrive $0xFFFF  }
0x12f: {  	_ =	shalt  }

</sc_bundles>
